<compile_context>
chip_gen: v7x
topology: tpu7x:2x2x1
jax: 0.10.2.dev20260603
libtpu: 0.0.44.dev20260713+nightly
codegen_flags: <defaults>
</compile_context>

<pallas_src>
import jax
import jax.numpy as jnp
from jax import lax
from jax.experimental import pallas as pl
from jax.experimental.pallas import tpu as pltpu
from jax.experimental.pallas import tpu_sc as plsc

_N = 50000
_E = 800000
_G = 256
_NP = 50176
_BN = 1024
_NBLK = _NP // _BN

_NW = 32
_EPW = _E // _NW
_C = 128
_NFULL = _EPW // _C
_TAIL = _EPW - _NFULL * _C



def _prep_edge_body(edge_ref, we_ref, be_ref, ge_ref, bee_ref, etab_ref):
    er = jnp.dot(edge_ref[...], we_ref[...],
                 preferred_element_type=jnp.float32) + be_ref[...]
    er = er * jax.nn.sigmoid(er)
    m = jnp.mean(er, axis=-1, keepdims=True)
    v = jnp.mean((er - m) ** 2, axis=-1, keepdims=True)
    etab_ref[...] = (er - m) / jnp.sqrt(v + 1e-5) * ge_ref[...] + bee_ref[...]


def _prep_edge(edge_table, w_e, b_e, g_e, beta_e):
    return pl.pallas_call(
        _prep_edge_body,
        out_shape=jax.ShapeDtypeStruct((8, 128), jnp.float32),
    )(edge_table, w_e, b_e, g_e, beta_e)


def _prep_node_body(batch_ref, t_ref, atom_ref, nc_ref, time_ref,
                    wh_ref, bh_ref, ta_ref, tg_ref):
    gio = lax.broadcasted_iota(jnp.int32, (_G, _BN), 0)

    def step(i, acc):
        row = batch_ref[pl.ds(i, 1), :]
        cmp = (row == gio).astype(jnp.float32)
        return acc + jnp.sum(cmp, axis=1, keepdims=True)

    counts = lax.fori_loop(0, _NBLK, step,
                           jnp.zeros((_G, 1), jnp.float32))
    counts = jnp.clip(counts.astype(jnp.int32), 0, 1023)

    vio = lax.broadcasted_iota(jnp.int32, (_G, 1024), 1)
    nc_oh = (counts == vio).astype(jnp.float32)
    nc_g = jnp.dot(nc_oh, nc_ref[...],
                   preferred_element_type=jnp.float32)
    t_oh = (t_ref[...] == vio).astype(jnp.float32)
    t_g = jnp.dot(t_oh, time_ref[...],
                  preferred_element_type=jnp.float32)

    wh = wh_ref[...]
    tg_ref[...] = (
        jnp.dot(nc_g, wh[64:128, :], preferred_element_type=jnp.float32)
        + jnp.dot(t_g, wh[128:192, :], preferred_element_type=jnp.float32)
        + bh_ref[...])
    ta_ref[...] = jnp.dot(atom_ref[...], wh[0:64, :],
                          preferred_element_type=jnp.float32)


def _prep_node(batch2d, t_col, atom_table, nc_table, time_pad, w_h0, b_h0):
    return pl.pallas_call(
        _prep_node_body,
        out_shape=[
            jax.ShapeDtypeStruct((128, 256), jnp.float32),
            jax.ShapeDtypeStruct((_G, 256), jnp.float32),
        ],
    )(batch2d, t_col, atom_table, nc_table, time_pad, w_h0, b_h0)



def _node_body(a_ref, b_ref, ta_ref, tg_ref, g_ref, beta_ref, out_ref):
    arow = a_ref[0]
    brow = b_ref[0]
    aio = lax.broadcasted_iota(jnp.int32, (128, _BN), 0)
    bio = lax.broadcasted_iota(jnp.int32, (_G, _BN), 0)
    oh_a = (arow == aio).astype(jnp.float32)
    oh_b = (brow == bio).astype(jnp.float32)
    dn = (((0,), (0,)), ((), ()))
    x = lax.dot_general(oh_a, ta_ref[...], dn,
                        preferred_element_type=jnp.float32)
    x = x + lax.dot_general(oh_b, tg_ref[...], dn,
                            preferred_element_type=jnp.float32)
    x = x * jax.nn.sigmoid(x)
    m = jnp.mean(x, axis=-1, keepdims=True)
    v = jnp.mean((x - m) ** 2, axis=-1, keepdims=True)
    out_ref[...] = (x - m) / jnp.sqrt(v + 1e-5) * g_ref[...] + beta_ref[...]


def _nodes(a3, b3, t_a, t_g, g_h0, beta_h0):
    return pl.pallas_call(
        _node_body,
        grid=(_NBLK,),
        in_specs=[
            pl.BlockSpec((1, 1, _BN), lambda i: (i, 0, 0)),
            pl.BlockSpec((1, 1, _BN), lambda i: (i, 0, 0)),
            pl.BlockSpec((128, 256), lambda i: (0, 0)),
            pl.BlockSpec((_G, 256), lambda i: (0, 0)),
            pl.BlockSpec((1, 256), lambda i: (0, 0)),
            pl.BlockSpec((1, 256), lambda i: (0, 0)),
        ],
        out_specs=pl.BlockSpec((_BN, 256), lambda i: (i, 0)),
        out_shape=jax.ShapeDtypeStruct((_N, 256), jnp.float32),
    )(a3, b3, t_a, t_g, g_h0, beta_h0)



def _edge_body(etab_hbm, e_hbm, out_hbm,
               shared, idx_all, rows0, rows1, rows2, rows3,
               g0, g1, g2, g3, w0, w1, w2, w3, isem):
    rows = (rows0, rows1, rows2, rows3)
    gsem = (g0, g1, g2, g3)
    wsem = (w0, w1, w2, w3)

    sid = lax.axis_index("s")
    wid = sid * 2 + lax.axis_index("c")
    base = wid * _EPW

    @pl.when(sid == 0)
    def _():
        pltpu.sync_copy(etab_hbm, shared)
    plsc.subcore_barrier()

    pltpu.make_async_copy(e_hbm.at[pl.ds(base, _EPW)], idx_all, isem).start()
    pltpu.make_async_copy(e_hbm.at[pl.ds(base, _EPW)], idx_all, isem).wait()

    def g_start(c, b):
        pltpu.make_async_copy(shared.at[idx_all.at[pl.ds(c * _C, _C)]],
                              rows[b], gsem[b]).start()

    def g_wait(b):
        pltpu.make_async_copy(shared.at[idx_all.at[pl.ds(0, _C)]],
                              rows[b], gsem[b]).wait()

    def w_start(c, b):
        pltpu.make_async_copy(rows[b], out_hbm.at[pl.ds(base + c * _C, _C)],
                              wsem[b]).start()

    def w_wait(b):
        pltpu.make_async_copy(rows[b], out_hbm.at[pl.ds(0, _C)],
                              wsem[b]).wait()

    g_start(0, 0)
    g_start(1, 1)
    g_start(2, 2)

    def body(i, _):
        for b in range(4):
            c = 4 * i + b
            g_wait(b)
            w_start(c, b)
            nb = (b + 3) % 4
            if b == 0:
                @pl.when(i > 0)
                def _():
                    w_wait(nb)
            else:
                w_wait(nb)
            g_start(c + 3, nb)
        return 0

    lax.fori_loop(0, (_NFULL // 4), body, 0)

    for c in (192, 193, 194):
        b = c % 4
        g_wait(b)
        w_start(c, b)
    w_wait(3)
    w_wait(0)
    w_wait(1)
    w_wait(2)

    pltpu.make_async_copy(
        shared.at[idx_all.at[pl.ds(_NFULL * _C, _TAIL)]],
        rows0.at[pl.ds(0, _TAIL)], g0).start()
    pltpu.make_async_copy(
        shared.at[idx_all.at[pl.ds(0, _TAIL)]],
        rows0.at[pl.ds(0, _TAIL)], g0).wait()
    pltpu.make_async_copy(
        rows0.at[pl.ds(0, _TAIL)],
        out_hbm.at[pl.ds(base + _NFULL * _C, _TAIL)], w0).start()
    pltpu.make_async_copy(rows0.at[pl.ds(0, _TAIL)],
                          out_hbm.at[pl.ds(0, _TAIL)], w0).wait()


def _edges(etab, e):
    mesh = plsc.VectorSubcoreMesh(core_axis_name="c", subcore_axis_name="s")
    fn = pl.kernel(
        _edge_body,
        out_type=jax.ShapeDtypeStruct((_E, 128), jnp.float32),
        mesh=mesh,
        scratch_types=[
            pltpu.VMEM_SHARED((8, 128), jnp.float32),
            pltpu.VMEM((_EPW,), jnp.int32),
            pltpu.VMEM((_C, 128), jnp.float32),
            pltpu.VMEM((_C, 128), jnp.float32),
            pltpu.VMEM((_C, 128), jnp.float32),
            pltpu.VMEM((_C, 128), jnp.float32),
            pltpu.SemaphoreType.DMA,
            pltpu.SemaphoreType.DMA,
            pltpu.SemaphoreType.DMA,
            pltpu.SemaphoreType.DMA,
            pltpu.SemaphoreType.DMA,
            pltpu.SemaphoreType.DMA,
            pltpu.SemaphoreType.DMA,
            pltpu.SemaphoreType.DMA,
            pltpu.SemaphoreType.DMA,
        ],
    )
    return fn(etab, e)



def kernel(a, e, edge_index, t, batch, atom_table, nc_table, time_table,
           edge_table, W_h0, b_h0, g_h0, beta_h0, W_e, b_e, g_e, beta_e):
    pad = _NP - _N
    a3 = jnp.pad(a, (0, pad)).reshape(_NBLK, 1, _BN)
    batch_p = jnp.pad(batch, (0, pad), constant_values=_G)
    b3 = batch_p.reshape(_NBLK, 1, _BN)
    batch2d = batch_p.reshape(_NBLK, _BN)
    t_col = t.reshape(_G, 1)
    time_pad = jnp.pad(time_table, ((0, 24), (0, 0)))

    etab = _prep_edge(edge_table, W_e, b_e.reshape(1, 128),
                      g_e.reshape(1, 128), beta_e.reshape(1, 128))
    t_a, t_g = _prep_node(batch2d, t_col, atom_table, nc_table, time_pad,
                          W_h0, b_h0.reshape(1, 256))

    e_embed = _edges(etab, e)
    h0 = _nodes(a3, b3, t_a, t_g,
                g_h0.reshape(1, 256), beta_h0.reshape(1, 256))
    return (h0, edge_index[0], edge_index[1], e_embed)

# --- scband reference (transcript-rebuilt; emitter-appended) ---
"""Pipeline reference for scband-embedding-backbone-20435454394389 (READ-ONLY COPY).

The authoritative reference and input builder live on the scoring server;
editing this copy changes nothing except your own understanding.
"""

import jax, jax.numpy as jnp
import numpy as np

N = 50000
E = 800000
G = 256
D = 64

def _layer_norm(x, g, b, eps=1e-5):
    m = jnp.mean(x, axis=-1, keepdims=True)
    v = jnp.var(x, axis=-1, keepdims=True)
    return (x - m) / jnp.sqrt(v + eps) * g + b

def _silu(x):
    return x * jax.nn.sigmoid(x)

def setup_inputs(seed: int = 0) -> dict:
    key = jax.random.key(seed)
    ks = jax.random.split(key, 12)
    a = jax.random.randint(ks[0], (N,), 0, 128)
    e = jax.random.randint(ks[1], (E,), 0, 8)
    edge_index = jax.random.randint(ks[2], (2, E), 0, N)
    t = jax.random.randint(ks[3], (G,), 0, 1000)
    batch = jnp.sort(jax.random.randint(ks[4], (N,), 0, G))
    atom_table = jax.random.normal(ks[5], (128, D), dtype=jnp.float32) * 0.02
    nc_table = jax.random.normal(ks[6], (1024, D), dtype=jnp.float32) * 0.02
    time_table = jax.random.normal(ks[7], (1000, D), dtype=jnp.float32) * 0.02
    edge_table = jax.random.normal(ks[8], (8, D), dtype=jnp.float32) * 0.02
    W_h0 = jax.random.normal(ks[9], (192, 256), dtype=jnp.float32) * 0.05
    b_h0 = jnp.zeros((256,), dtype=jnp.float32)
    g_h0 = jnp.ones((256,), dtype=jnp.float32)
    beta_h0 = jnp.zeros((256,), dtype=jnp.float32)
    W_e = jax.random.normal(ks[10], (64, 128), dtype=jnp.float32) * 0.05
    b_e = jnp.zeros((128,), dtype=jnp.float32)
    g_e = jnp.ones((128,), dtype=jnp.float32)
    beta_e = jnp.zeros((128,), dtype=jnp.float32)
    return {"a": a, "e": e, "edge_index": edge_index, "t": t, "batch": batch,
            "atom_table": atom_table, "nc_table": nc_table, "time_table": time_table,
            "edge_table": edge_table, "W_h0": W_h0, "b_h0": b_h0, "g_h0": g_h0,
            "beta_h0": beta_h0, "W_e": W_e, "b_e": b_e, "g_e": g_e, "beta_e": beta_e}

def reference(a, e, edge_index, t, batch, atom_table, nc_table, time_table, edge_table,
              W_h0, b_h0, g_h0, beta_h0, W_e, b_e, g_e, beta_e):
    N_nodes = jnp.bincount(batch, length=G)
    a_embed = jnp.take(atom_table, a, axis=0)
    nc_embed = jnp.take(nc_table, N_nodes, axis=0)[batch]
    t_embed = jnp.take(time_table, t, axis=0)[batch]
    h_0 = jnp.concatenate([a_embed, nc_embed, t_embed], axis=-1)
    h_0 = _layer_norm(_silu(h_0 @ W_h0 + b_h0), g_h0, beta_h0)
    e_embed = jnp.take(edge_table, e, axis=0)
    e_embed = _layer_norm(_silu(e_embed @ W_e + b_e), g_e, beta_e)
    return (h_0, edge_index[0], edge_index[1], e_embed)

if __name__ == "__main__":
    import jax
    _d = setup_inputs()
    print(jax.jit(kernel)(*tuple(_d.values())))

</pallas_src>

<mosaic_0001>
#map = affine_map<(d0, d1) -> (0, 0)>
#map1 = affine_map<(d0, d1) -> (0)>
module attributes {stable_mosaic.version = 14 : i64} {
  func.func @_edge_body(%arg0: i32, %arg1: i32, %arg2: memref<8x128xf32, #tpu.memory_space<hbm>>, %arg3: memref<800000xi32, #tpu.memory_space<hbm>>, %arg4: memref<800000x128xf32, #tpu.memory_space<hbm>>, %arg5: memref<8x128xf32, #tpu.memory_space<vmem_shared>>, %arg6: memref<25000xi32, #tpu.memory_space<vmem>>, %arg7: memref<128x128xf32, #tpu.memory_space<vmem>>, %arg8: memref<128x128xf32, #tpu.memory_space<vmem>>, %arg9: memref<128x128xf32, #tpu.memory_space<vmem>>, %arg10: memref<128x128xf32, #tpu.memory_space<vmem>>, %arg11: memref<!tpu.dma_semaphore, #tpu.memory_space<semaphore_mem>>, %arg12: memref<!tpu.dma_semaphore, #tpu.memory_space<semaphore_mem>>, %arg13: memref<!tpu.dma_semaphore, #tpu.memory_space<semaphore_mem>>, %arg14: memref<!tpu.dma_semaphore, #tpu.memory_space<semaphore_mem>>, %arg15: memref<!tpu.dma_semaphore, #tpu.memory_space<semaphore_mem>>, %arg16: memref<!tpu.dma_semaphore, #tpu.memory_space<semaphore_mem>>, %arg17: memref<!tpu.dma_semaphore, #tpu.memory_space<semaphore_mem>>, %arg18: memref<!tpu.dma_semaphore, #tpu.memory_space<semaphore_mem>>, %arg19: memref<!tpu.dma_semaphore, #tpu.memory_space<semaphore_mem>>) attributes {dimension_semantics = [#tpu.dimension_semantics<core_parallel>, #tpu.dimension_semantics<subcore_parallel>], iteration_bounds = array<i64: 2, 16>, scalar_prefetch = 0 : i64, scratch_operands = 15 : i64, tpu.core_type = #tpu.core_type<sc_vector_subcore>, window_params = [{transform_indices = #map}, {transform_indices = #map1}, {transform_indices = #map}]} {
    %mul3A = arith.constant 2 : i32
    %mul3A_0 = arith.muli %arg1, %mul3A : i32
    %add3A = arith.addi %mul3A_0, %arg0 : i32
    %mul3A_1 = arith.constant 25000 : i32
    %mul3A_2 = arith.muli %add3A, %mul3A_1 : i32
    %eq3A = arith.constant 0 : i32
    %eq3A_3 = arith.cmpi eq, %arg1, %eq3A : i32
    %convert_element_type3A = arith.extui %eq3A_3 : i1 to i32
    %cond3A = arith.constant 0 : i32
    %cond3A_4 = arith.cmpi ne, %convert_element_type3A, %cond3A : i32
    scf.if %cond3A_4 {
      "tpu.region"() ({
        %run_scoped3A = tpu.sem_alloc : memref<!tpu.dma_semaphore, #tpu.memory_space<semaphore_mem>>
        tpu.enqueue_dma source(%arg2 : memref<8x128xf32, #tpu.memory_space<hbm>>) target(%arg5 : memref<8x128xf32, #tpu.memory_space<vmem_shared>>) target_semaphore(%run_scoped3A : memref<!tpu.dma_semaphore, #tpu.memory_space<semaphore_mem>>)
        tpu.wait_dma2 semaphore(%run_scoped3A : memref<!tpu.dma_semaphore, #tpu.memory_space<semaphore_mem>>) src(%arg2 : memref<8x128xf32, #tpu.memory_space<hbm>>) dst(%arg5 : memref<8x128xf32, #tpu.memory_space<vmem_shared>>)
        tpu.yield
      }) : () -> ()
    } else {
    }
    %barrier3A = arith.constant 0 : index
    tpu.barrier barrier_id(%barrier3A)
    %dma_start3A = tpu.memref_slice %arg3[%mul3A_2] : memref<800000xi32, #tpu.memory_space<hbm>> -> memref<25000xi32, #tpu.memory_space<hbm>>
    %dma_start3A_5 = tpu.memref_slice %arg3[%mul3A_2] : memref<800000xi32, #tpu.memory_space<hbm>> -> memref<25000xi32, #tpu.memory_space<hbm>>
    tpu.enqueue_dma source(%dma_start3A_5 : memref<25000xi32, #tpu.memory_space<hbm>>) target(%arg6 : memref<25000xi32, #tpu.memory_space<vmem>>) target_semaphore(%arg19 : memref<!tpu.dma_semaphore, #tpu.memory_space<semaphore_mem>>)
    %dma_wait3A = tpu.memref_slice %arg3[%mul3A_2] : memref<800000xi32, #tpu.memory_space<hbm>> -> memref<25000xi32, #tpu.memory_space<hbm>>
    %dma_wait3A_6 = tpu.memref_slice %arg3[%mul3A_2] : memref<800000xi32, #tpu.memory_space<hbm>> -> memref<25000xi32, #tpu.memory_space<hbm>>
    tpu.wait_dma2 semaphore(%arg19 : memref<!tpu.dma_semaphore, #tpu.memory_space<semaphore_mem>>) src(%dma_wait3A_6 : memref<25000xi32, #tpu.memory_space<hbm>>) dst(%arg6 : memref<25000xi32, #tpu.memory_space<vmem>>)
    %dma_start3A_7 = arith.constant 0 : i32
    %dma_start3A_8 = tpu.memref_slice %arg6[%dma_start3A_7] : memref<25000xi32, #tpu.memory_space<vmem>> -> memref<128xi32, #tpu.memory_space<vmem>>
    %dma_start3A_9 = arith.constant 0 : i32
    %dma_start3A_10 = arith.constant 0 : i32
    %dma_start3A_11 = tpu.memref_slice %arg5[%dma_start3A_9, %dma_start3A_10] : memref<8x128xf32, #tpu.memory_space<vmem_shared>> -> memref<8x128xf32, #tpu.memory_space<vmem_shared>>
    tpu.enqueue_indirect_dma source(%dma_start3A_11 : memref<8x128xf32, #tpu.memory_space<vmem_shared>>) target(%arg7 : memref<128x128xf32, #tpu.memory_space<vmem>>) offsets(%dma_start3A_8 : memref<128xi32, #tpu.memory_space<vmem>>) semaphore(%arg11 : memref<!tpu.dma_semaphore, #tpu.memory_space<semaphore_mem>>)
    %dma_start3A_12 = arith.constant 128 : i32
    %dma_start3A_13 = tpu.memref_slice %arg6[%dma_start3A_12] : memref<25000xi32, #tpu.memory_space<vmem>> -> memref<128xi32, #tpu.memory_space<vmem>>
    %dma_start3A_14 = arith.constant 0 : i32
    %dma_start3A_15 = arith.constant 0 : i32
    %dma_start3A_16 = tpu.memref_slice %arg5[%dma_start3A_14, %dma_start3A_15] : memref<8x128xf32, #tpu.memory_space<vmem_shared>> -> memref<8x128xf32, #tpu.memory_space<vmem_shared>>
    tpu.enqueue_indirect_dma source(%dma_start3A_16 : memref<8x128xf32, #tpu.memory_space<vmem_shared>>) target(%arg8 : memref<128x128xf32, #tpu.memory_space<vmem>>) offsets(%dma_start3A_13 : memref<128xi32, #tpu.memory_space<vmem>>) semaphore(%arg12 : memref<!tpu.dma_semaphore, #tpu.memory_space<semaphore_mem>>)
    %dma_start3A_17 = arith.constant 256 : i32
    %dma_start3A_18 = tpu.memref_slice %arg6[%dma_start3A_17] : memref<25000xi32, #tpu.memory_space<vmem>> -> memref<128xi32, #tpu.memory_space<vmem>>
    %dma_start3A_19 = arith.constant 0 : i32
    %dma_start3A_20 = arith.constant 0 : i32
    %dma_start3A_21 = tpu.memref_slice %arg5[%dma_start3A_19, %dma_start3A_20] : memref<8x128xf32, #tpu.memory_space<vmem_shared>> -> memref<8x128xf32, #tpu.memory_space<vmem_shared>>
    tpu.enqueue_indirect_dma source(%dma_start3A_21 : memref<8x128xf32, #tpu.memory_space<vmem_shared>>) target(%arg9 : memref<128x128xf32, #tpu.memory_space<vmem>>) offsets(%dma_start3A_18 : memref<128xi32, #tpu.memory_space<vmem>>) semaphore(%arg13 : memref<!tpu.dma_semaphore, #tpu.memory_space<semaphore_mem>>)
    %scan3A = arith.constant 0 : i32
    %scan3A_22 = arith.constant 0 : i32
    %scan3A_23 = arith.constant 48 : i32
    %scan3A_24 = arith.addi %scan3A_22, %scan3A_23 : i32
    %scan3A_25 = arith.constant 1 : i32
    %scan3A_26 = scf.for %scan3A_125 = %scan3A_22 to %scan3A_24 step %scan3A_25 iter_args(%scan3A_126 = %scan3A) -> (i32)  : i32 {
      %mul3A_127 = arith.constant 4 : i32
      %mul3A_128 = arith.muli %mul3A_127, %scan3A_125 : i32
      %add3A_129 = arith.constant 0 : i32
      %add3A_130 = arith.addi %mul3A_128, %add3A_129 : i32
      %dma_wait3A_131 = arith.constant 0 : i32
      %dma_wait3A_132 = tpu.memref_slice %arg6[%dma_wait3A_131] : memref<25000xi32, #tpu.memory_space<vmem>> -> memref<128xi32, #tpu.memory_space<vmem>>
      %dma_wait3A_133 = arith.constant 0 : i32
      %dma_wait3A_134 = arith.constant 0 : i32
      %dma_wait3A_135 = tpu.memref_slice %arg5[%dma_wait3A_133, %dma_wait3A_134] : memref<8x128xf32, #tpu.memory_space<vmem_shared>> -> memref<8x128xf32, #tpu.memory_space<vmem_shared>>
      tpu.wait_indirect_dma semaphore(%arg11 : memref<!tpu.dma_semaphore, #tpu.memory_space<semaphore_mem>>) src(%dma_wait3A_135 : memref<8x128xf32, #tpu.memory_space<vmem_shared>>) dst(%arg7 : memref<128x128xf32, #tpu.memory_space<vmem>>)
      %mul3A_136 = arith.constant 128 : i32
      %mul3A_137 = arith.muli %add3A_130, %mul3A_136 : i32
      %add3A_138 = arith.addi %mul3A_2, %mul3A_137 : i32
      %dma_start3A_139 = arith.constant 0 : i32
      %dma_start3A_140 = tpu.memref_slice %arg4[%add3A_138, %dma_start3A_139] : memref<800000x128xf32, #tpu.memory_space<hbm>> -> memref<128x128xf32, #tpu.memory_space<hbm>>
      %dma_start3A_141 = arith.constant 0 : i32
      %dma_start3A_142 = tpu.memref_slice %arg4[%add3A_138, %dma_start3A_141] : memref<800000x128xf32, #tpu.memory_space<hbm>> -> memref<128x128xf32, #tpu.memory_space<hbm>>
      tpu.enqueue_dma source(%arg7 : memref<128x128xf32, #tpu.memory_space<vmem>>) target(%dma_start3A_142 : memref<128x128xf32, #tpu.memory_space<hbm>>) target_semaphore(%arg15 : memref<!tpu.dma_semaphore, #tpu.memory_space<semaphore_mem>>)
      %gt3A = arith.constant 0 : i32
      %gt3A_143 = arith.cmpi sgt, %scan3A_125, %gt3A : i32
      %convert_element_type3A_144 = arith.extui %gt3A_143 : i1 to i32
      %cond3A_145 = arith.constant 0 : i32
      %cond3A_146 = arith.cmpi ne, %convert_element_type3A_144, %cond3A_145 : i32
      scf.if %cond3A_146 {
        %dma_wait3A_246 = arith.constant 0 : i32
        %dma_wait3A_247 = arith.constant 0 : i32
        %dma_wait3A_248 = tpu.memref_slice %arg4[%dma_wait3A_246, %dma_wait3A_247] : memref<800000x128xf32, #tpu.memory_space<hbm>> -> memref<128x128xf32, #tpu.memory_space<hbm>>
        %dma_wait3A_249 = arith.constant 0 : i32
        %dma_wait3A_250 = arith.constant 0 : i32
        %dma_wait3A_251 = tpu.memref_slice %arg4[%dma_wait3A_249, %dma_wait3A_250] : memref<800000x128xf32, #tpu.memory_space<hbm>> -> memref<128x128xf32, #tpu.memory_space<hbm>>
        tpu.wait_dma2 semaphore(%arg18 : memref<!tpu.dma_semaphore, #tpu.memory_space<semaphore_mem>>) src(%arg10 : memref<128x128xf32, #tpu.memory_space<vmem>>) dst(%dma_wait3A_251 : memref<128x128xf32, #tpu.memory_space<hbm>>)
      } else {
      }
      %add3A_147 = arith.constant 3 : i32
      %add3A_148 = arith.addi %add3A_130, %add3A_147 : i32
      %mul3A_149 = arith.constant 128 : i32
      %mul3A_150 = arith.muli %add3A_148, %mul3A_149 : i32
      %dma_start3A_151 = tpu.memref_slice %arg6[%mul3A_150] : memref<25000xi32, #tpu.memory_space<vmem>> -> memref<128xi32, #tpu.memory_space<vmem>>
      %dma_start3A_152 = arith.constant 0 : i32
      %dma_start3A_153 = arith.constant 0 : i32
      %dma_start3A_154 = tpu.memref_slice %arg5[%dma_start3A_152, %dma_start3A_153] : memref<8x128xf32, #tpu.memory_space<vmem_shared>> -> memref<8x128xf32, #tpu.memory_space<vmem_shared>>
      tpu.enqueue_indirect_dma source(%dma_start3A_154 : memref<8x128xf32, #tpu.memory_space<vmem_shared>>) target(%arg10 : memref<128x128xf32, #tpu.memory_space<vmem>>) offsets(%dma_start3A_151 : memref<128xi32, #tpu.memory_space<vmem>>) semaphore(%arg14 : memref<!tpu.dma_semaphore, #tpu.memory_space<semaphore_mem>>)
      %mul3A_155 = arith.constant 4 : i32
      %mul3A_156 = arith.muli %mul3A_155, %scan3A_125 : i32
      %add3A_157 = arith.constant 1 : i32
      %add3A_158 = arith.addi %mul3A_156, %add3A_157 : i32
      %dma_wait3A_159 = arith.constant 0 : i32
      %dma_wait3A_160 = tpu.memref_slice %arg6[%dma_wait3A_159] : memref<25000xi32, #tpu.memory_space<vmem>> -> memref<128xi32, #tpu.memory_space<vmem>>
      %dma_wait3A_161 = arith.constant 0 : i32
      %dma_wait3A_162 = arith.constant 0 : i32
      %dma_wait3A_163 = tpu.memref_slice %arg5[%dma_wait3A_161, %dma_wait3A_162] : memref<8x128xf32, #tpu.memory_space<vmem_shared>> -> memref<8x128xf32, #tpu.memory_space<vmem_shared>>
      tpu.wait_indirect_dma semaphore(%arg12 : memref<!tpu.dma_semaphore, #tpu.memory_space<semaphore_mem>>) src(%dma_wait3A_163 : memref<8x128xf32, #tpu.memory_space<vmem_shared>>) dst(%arg8 : memref<128x128xf32, #tpu.memory_space<vmem>>)
      %mul3A_164 = arith.constant 128 : i32
      %mul3A_165 = arith.muli %add3A_158, %mul3A_164 : i32
      %add3A_166 = arith.addi %mul3A_2, %mul3A_165 : i32
      %dma_start3A_167 = arith.constant 0 : i32
      %dma_start3A_168 = tpu.memref_slice %arg4[%add3A_166, %dma_start3A_167] : memref<800000x128xf32, #tpu.memory_space<hbm>> -> memref<128x128xf32, #tpu.memory_space<hbm>>
      %dma_start3A_169 = arith.constant 0 : i32
      %dma_start3A_170 = tpu.memref_slice %arg4[%add3A_166, %dma_start3A_169] : memref<800000x128xf32, #tpu.memory_space<hbm>> -> memref<128x128xf32, #tpu.memory_space<hbm>>
      tpu.enqueue_dma source(%arg8 : memref<128x128xf32, #tpu.memory_space<vmem>>) target(%dma_start3A_170 : memref<128x128xf32, #tpu.memory_space<hbm>>) target_semaphore(%arg16 : memref<!tpu.dma_semaphore, #tpu.memory_space<semaphore_mem>>)
      %dma_wait3A_171 = arith.constant 0 : i32
      %dma_wait3A_172 = arith.constant 0 : i32
      %dma_wait3A_173 = tpu.memref_slice %arg4[%dma_wait3A_171, %dma_wait3A_172] : memref<800000x128xf32, #tpu.memory_space<hbm>> -> memref<128x128xf32, #tpu.memory_space<hbm>>
      %dma_wait3A_174 = arith.constant 0 : i32
      %dma_wait3A_175 = arith.constant 0 : i32
      %dma_wait3A_176 = tpu.memref_slice %arg4[%dma_wait3A_174, %dma_wait3A_175] : memref<800000x128xf32, #tpu.memory_space<hbm>> -> memref<128x128xf32, #tpu.memory_space<hbm>>
      tpu.wait_dma2 semaphore(%arg15 : memref<!tpu.dma_semaphore, #tpu.memory_space<semaphore_mem>>) src(%arg7 : memref<128x128xf32, #tpu.memory_space<vmem>>) dst(%dma_wait3A_176 : memref<128x128xf32, #tpu.memory_space<hbm>>)
      %add3A_177 = arith.constant 3 : i32
      %add3A_178 = arith.addi %add3A_158, %add3A_177 : i32
      %mul3A_179 = arith.constant 128 : i32
      %mul3A_180 = arith.muli %add3A_178, %mul3A_179 : i32
      %dma_start3A_181 = tpu.memref_slice %arg6[%mul3A_180] : memref<25000xi32, #tpu.memory_space<vmem>> -> memref<128xi32, #tpu.memory_space<vmem>>
      %dma_start3A_182 = arith.constant 0 : i32
      %dma_start3A_183 = arith.constant 0 : i32
      %dma_start3A_184 = tpu.memref_slice %arg5[%dma_start3A_182, %dma_start3A_183] : memref<8x128xf32, #tpu.memory_space<vmem_shared>> -> memref<8x128xf32, #tpu.memory_space<vmem_shared>>
      tpu.enqueue_indirect_dma source(%dma_start3A_184 : memref<8x128xf32, #tpu.memory_space<vmem_shared>>) target(%arg7 : memref<128x128xf32, #tpu.memory_space<vmem>>) offsets(%dma_start3A_181 : memref<128xi32, #tpu.memory_space<vmem>>) semaphore(%arg11 : memref<!tpu.dma_semaphore, #tpu.memory_space<semaphore_mem>>)
      %mul3A_185 = arith.constant 4 : i32
      %mul3A_186 = arith.muli %mul3A_185, %scan3A_125 : i32
      %add3A_187 = arith.constant 2 : i32
      %add3A_188 = arith.addi %mul3A_186, %add3A_187 : i32
      %dma_wait3A_189 = arith.constant 0 : i32
      %dma_wait3A_190 = tpu.memref_slice %arg6[%dma_wait3A_189] : memref<25000xi32, #tpu.memory_space<vmem>> -> memref<128xi32, #tpu.memory_space<vmem>>
      %dma_wait3A_191 = arith.constant 0 : i32
      %dma_wait3A_192 = arith.constant 0 : i32
      %dma_wait3A_193 = tpu.memref_slice %arg5[%dma_wait3A_191, %dma_wait3A_192] : memref<8x128xf32, #tpu.memory_space<vmem_shared>> -> memref<8x128xf32, #tpu.memory_space<vmem_shared>>
      tpu.wait_indirect_dma semaphore(%arg13 : memref<!tpu.dma_semaphore, #tpu.memory_space<semaphore_mem>>) src(%dma_wait3A_193 : memref<8x128xf32, #tpu.memory_space<vmem_shared>>) dst(%arg9 : memref<128x128xf32, #tpu.memory_space<vmem>>)
      %mul3A_194 = arith.constant 128 : i32
      %mul3A_195 = arith.muli %add3A_188, %mul3A_194 : i32
      %add3A_196 = arith.addi %mul3A_2, %mul3A_195 : i32
      %dma_start3A_197 = arith.constant 0 : i32
      %dma_start3A_198 = tpu.memref_slice %arg4[%add3A_196, %dma_start3A_197] : memref<800000x128xf32, #tpu.memory_space<hbm>> -> memref<128x128xf32, #tpu.memory_space<hbm>>
      %dma_start3A_199 = arith.constant 0 : i32
      %dma_start3A_200 = tpu.memref_slice %arg4[%add3A_196, %dma_start3A_199] : memref<800000x128xf32, #tpu.memory_space<hbm>> -> memref<128x128xf32, #tpu.memory_space<hbm>>
      tpu.enqueue_dma source(%arg9 : memref<128x128xf32, #tpu.memory_space<vmem>>) target(%dma_start3A_200 : memref<128x128xf32, #tpu.memory_space<hbm>>) target_semaphore(%arg17 : memref<!tpu.dma_semaphore, #tpu.memory_space<semaphore_mem>>)
      %dma_wait3A_201 = arith.constant 0 : i32
      %dma_wait3A_202 = arith.constant 0 : i32
      %dma_wait3A_203 = tpu.memref_slice %arg4[%dma_wait3A_201, %dma_wait3A_202] : memref<800000x128xf32, #tpu.memory_space<hbm>> -> memref<128x128xf32, #tpu.memory_space<hbm>>
      %dma_wait3A_204 = arith.constant 0 : i32
      %dma_wait3A_205 = arith.constant 0 : i32
      %dma_wait3A_206 = tpu.memref_slice %arg4[%dma_wait3A_204, %dma_wait3A_205] : memref<800000x128xf32, #tpu.memory_space<hbm>> -> memref<128x128xf32, #tpu.memory_space<hbm>>
      tpu.wait_dma2 semaphore(%arg16 : memref<!tpu.dma_semaphore, #tpu.memory_space<semaphore_mem>>) src(%arg8 : memref<128x128xf32, #tpu.memory_space<vmem>>) dst(%dma_wait3A_206 : memref<128x128xf32, #tpu.memory_space<hbm>>)
      %add3A_207 = arith.constant 3 : i32
      %add3A_208 = arith.addi %add3A_188, %add3A_207 : i32
      %mul3A_209 = arith.constant 128 : i32
      %mul3A_210 = arith.muli %add3A_208, %mul3A_209 : i32
      %dma_start3A_211 = tpu.memref_slice %arg6[%mul3A_210] : memref<25000xi32, #tpu.memory_space<vmem>> -> memref<128xi32, #tpu.memory_space<vmem>>
      %dma_start3A_212 = arith.constant 0 : i32
      %dma_start3A_213 = arith.constant 0 : i32
      %dma_start3A_214 = tpu.memref_slice %arg5[%dma_start3A_212, %dma_start3A_213] : memref<8x128xf32, #tpu.memory_space<vmem_shared>> -> memref<8x128xf32, #tpu.memory_space<vmem_shared>>
      tpu.enqueue_indirect_dma source(%dma_start3A_214 : memref<8x128xf32, #tpu.memory_space<vmem_shared>>) target(%arg8 : memref<128x128xf32, #tpu.memory_space<vmem>>) offsets(%dma_start3A_211 : memref<128xi32, #tpu.memory_space<vmem>>) semaphore(%arg12 : memref<!tpu.dma_semaphore, #tpu.memory_space<semaphore_mem>>)
      %mul3A_215 = arith.constant 4 : i32
      %mul3A_216 = arith.muli %mul3A_215, %scan3A_125 : i32
      %add3A_217 = arith.constant 3 : i32
      %add3A_218 = arith.addi %mul3A_216, %add3A_217 : i32
      %dma_wait3A_219 = arith.constant 0 : i32
      %dma_wait3A_220 = tpu.memref_slice %arg6[%dma_wait3A_219] : memref<25000xi32, #tpu.memory_space<vmem>> -> memref<128xi32, #tpu.memory_space<vmem>>
      %dma_wait3A_221 = arith.constant 0 : i32
      %dma_wait3A_222 = arith.constant 0 : i32
      %dma_wait3A_223 = tpu.memref_slice %arg5[%dma_wait3A_221, %dma_wait3A_222] : memref<8x128xf32, #tpu.memory_space<vmem_shared>> -> memref<8x128xf32, #tpu.memory_space<vmem_shared>>
      tpu.wait_indirect_dma semaphore(%arg14 : memref<!tpu.dma_semaphore, #tpu.memory_space<semaphore_mem>>) src(%dma_wait3A_223 : memref<8x128xf32, #tpu.memory_space<vmem_shared>>) dst(%arg10 : memref<128x128xf32, #tpu.memory_space<vmem>>)
      %mul3A_224 = arith.constant 128 : i32
      %mul3A_225 = arith.muli %add3A_218, %mul3A_224 : i32
      %add3A_226 = arith.addi %mul3A_2, %mul3A_225 : i32
      %dma_start3A_227 = arith.constant 0 : i32
      %dma_start3A_228 = tpu.memref_slice %arg4[%add3A_226, %dma_start3A_227] : memref<800000x128xf32, #tpu.memory_space<hbm>> -> memref<128x128xf32, #tpu.memory_space<hbm>>
      %dma_start3A_229 = arith.constant 0 : i32
      %dma_start3A_230 = tpu.memref_slice %arg4[%add3A_226, %dma_start3A_229] : memref<800000x128xf32, #tpu.memory_space<hbm>> -> memref<128x128xf32, #tpu.memory_space<hbm>>
      tpu.enqueue_dma source(%arg10 : memref<128x128xf32, #tpu.memory_space<vmem>>) target(%dma_start3A_230 : memref<128x128xf32, #tpu.memory_space<hbm>>) target_semaphore(%arg18 : memref<!tpu.dma_semaphore, #tpu.memory_space<semaphore_mem>>)
      %dma_wait3A_231 = arith.constant 0 : i32
      %dma_wait3A_232 = arith.constant 0 : i32
      %dma_wait3A_233 = tpu.memref_slice %arg4[%dma_wait3A_231, %dma_wait3A_232] : memref<800000x128xf32, #tpu.memory_space<hbm>> -> memref<128x128xf32, #tpu.memory_space<hbm>>
      %dma_wait3A_234 = arith.constant 0 : i32
      %dma_wait3A_235 = arith.constant 0 : i32
      %dma_wait3A_236 = tpu.memref_slice %arg4[%dma_wait3A_234, %dma_wait3A_235] : memref<800000x128xf32, #tpu.memory_space<hbm>> -> memref<128x128xf32, #tpu.memory_space<hbm>>
      tpu.wait_dma2 semaphore(%arg17 : memref<!tpu.dma_semaphore, #tpu.memory_space<semaphore_mem>>) src(%arg9 : memref<128x128xf32, #tpu.memory_space<vmem>>) dst(%dma_wait3A_236 : memref<128x128xf32, #tpu.memory_space<hbm>>)
      %add3A_237 = arith.constant 3 : i32
      %add3A_238 = arith.addi %add3A_218, %add3A_237 : i32
      %mul3A_239 = arith.constant 128 : i32
      %mul3A_240 = arith.muli %add3A_238, %mul3A_239 : i32
      %dma_start3A_241 = tpu.memref_slice %arg6[%mul3A_240] : memref<25000xi32, #tpu.memory_space<vmem>> -> memref<128xi32, #tpu.memory_space<vmem>>
      %dma_start3A_242 = arith.constant 0 : i32
      %dma_start3A_243 = arith.constant 0 : i32
      %dma_start3A_244 = tpu.memref_slice %arg5[%dma_start3A_242, %dma_start3A_243] : memref<8x128xf32, #tpu.memory_space<vmem_shared>> -> memref<8x128xf32, #tpu.memory_space<vmem_shared>>
      tpu.enqueue_indirect_dma source(%dma_start3A_244 : memref<8x128xf32, #tpu.memory_space<vmem_shared>>) target(%arg9 : memref<128x128xf32, #tpu.memory_space<vmem>>) offsets(%dma_start3A_241 : memref<128xi32, #tpu.memory_space<vmem>>) semaphore(%arg13 : memref<!tpu.dma_semaphore, #tpu.memory_space<semaphore_mem>>)
      %scan3A_245 = arith.constant 0 : i32
      scf.yield %scan3A_245 : i32
    }
    %scan3A_27 = arith.constant 48 : i32
    %dma_wait3A_28 = arith.constant 0 : i32
    %dma_wait3A_29 = tpu.memref_slice %arg6[%dma_wait3A_28] : memref<25000xi32, #tpu.memory_space<vmem>> -> memref<128xi32, #tpu.memory_space<vmem>>
    %dma_wait3A_30 = arith.constant 0 : i32
    %dma_wait3A_31 = arith.constant 0 : i32
    %dma_wait3A_32 = tpu.memref_slice %arg5[%dma_wait3A_30, %dma_wait3A_31] : memref<8x128xf32, #tpu.memory_space<vmem_shared>> -> memref<8x128xf32, #tpu.memory_space<vmem_shared>>
    tpu.wait_indirect_dma semaphore(%arg11 : memref<!tpu.dma_semaphore, #tpu.memory_space<semaphore_mem>>) src(%dma_wait3A_32 : memref<8x128xf32, #tpu.memory_space<vmem_shared>>) dst(%arg7 : memref<128x128xf32, #tpu.memory_space<vmem>>)
    %add3A_33 = arith.constant 24576 : i32
    %add3A_34 = arith.addi %mul3A_2, %add3A_33 : i32
    %dma_start3A_35 = arith.constant 0 : i32
    %dma_start3A_36 = tpu.memref_slice %arg4[%add3A_34, %dma_start3A_35] : memref<800000x128xf32, #tpu.memory_space<hbm>> -> memref<128x128xf32, #tpu.memory_space<hbm>>
    %dma_start3A_37 = arith.constant 0 : i32
    %dma_start3A_38 = tpu.memref_slice %arg4[%add3A_34, %dma_start3A_37] : memref<800000x128xf32, #tpu.memory_space<hbm>> -> memref<128x128xf32, #tpu.memory_space<hbm>>
    tpu.enqueue_dma source(%arg7 : memref<128x128xf32, #tpu.memory_space<vmem>>) target(%dma_start3A_38 : memref<128x128xf32, #tpu.memory_space<hbm>>) target_semaphore(%arg15 : memref<!tpu.dma_semaphore, #tpu.memory_space<semaphore_mem>>)
    %dma_wait3A_39 = arith.constant 0 : i32
    %dma_wait3A_40 = tpu.memref_slice %arg6[%dma_wait3A_39] : memref<25000xi32, #tpu.memory_space<vmem>> -> memref<128xi32, #tpu.memory_space<vmem>>
    %dma_wait3A_41 = arith.constant 0 : i32
    %dma_wait3A_42 = arith.constant 0 : i32
    %dma_wait3A_43 = tpu.memref_slice %arg5[%dma_wait3A_41, %dma_wait3A_42] : memref<8x128xf32, #tpu.memory_space<vmem_shared>> -> memref<8x128xf32, #tpu.memory_space<vmem_shared>>
    tpu.wait_indirect_dma semaphore(%arg12 : memref<!tpu.dma_semaphore, #tpu.memory_space<semaphore_mem>>) src(%dma_wait3A_43 : memref<8x128xf32, #tpu.memory_space<vmem_shared>>) dst(%arg8 : memref<128x128xf32, #tpu.memory_space<vmem>>)
    %add3A_44 = arith.constant 24704 : i32
    %add3A_45 = arith.addi %mul3A_2, %add3A_44 : i32
    %dma_start3A_46 = arith.constant 0 : i32
    %dma_start3A_47 = tpu.memref_slice %arg4[%add3A_45, %dma_start3A_46] : memref<800000x128xf32, #tpu.memory_space<hbm>> -> memref<128x128xf32, #tpu.memory_space<hbm>>
    %dma_start3A_48 = arith.constant 0 : i32
    %dma_start3A_49 = tpu.memref_slice %arg4[%add3A_45, %dma_start3A_48] : memref<800000x128xf32, #tpu.memory_space<hbm>> -> memref<128x128xf32, #tpu.memory_space<hbm>>
    tpu.enqueue_dma source(%arg8 : memref<128x128xf32, #tpu.memory_space<vmem>>) target(%dma_start3A_49 : memref<128x128xf32, #tpu.memory_space<hbm>>) target_semaphore(%arg16 : memref<!tpu.dma_semaphore, #tpu.memory_space<semaphore_mem>>)
    %dma_wait3A_50 = arith.constant 0 : i32
    %dma_wait3A_51 = tpu.memref_slice %arg6[%dma_wait3A_50] : memref<25000xi32, #tpu.memory_space<vmem>> -> memref<128xi32, #tpu.memory_space<vmem>>
    %dma_wait3A_52 = arith.constant 0 : i32
    %dma_wait3A_53 = arith.constant 0 : i32
    %dma_wait3A_54 = tpu.memref_slice %arg5[%dma_wait3A_52, %dma_wait3A_53] : memref<8x128xf32, #tpu.memory_space<vmem_shared>> -> memref<8x128xf32, #tpu.memory_space<vmem_shared>>
    tpu.wait_indirect_dma semaphore(%arg13 : memref<!tpu.dma_semaphore, #tpu.memory_space<semaphore_mem>>) src(%dma_wait3A_54 : memref<8x128xf32, #tpu.memory_space<vmem_shared>>) dst(%arg9 : memref<128x128xf32, #tpu.memory_space<vmem>>)
    %add3A_55 = arith.constant 24832 : i32
    %add3A_56 = arith.addi %mul3A_2, %add3A_55 : i32
    %dma_start3A_57 = arith.constant 0 : i32
    %dma_start3A_58 = tpu.memref_slice %arg4[%add3A_56, %dma_start3A_57] : memref<800000x128xf32, #tpu.memory_space<hbm>> -> memref<128x128xf32, #tpu.memory_space<hbm>>
    %dma_start3A_59 = arith.constant 0 : i32
    %dma_start3A_60 = tpu.memref_slice %arg4[%add3A_56, %dma_start3A_59] : memref<800000x128xf32, #tpu.memory_space<hbm>> -> memref<128x128xf32, #tpu.memory_space<hbm>>
    tpu.enqueue_dma source(%arg9 : memref<128x128xf32, #tpu.memory_space<vmem>>) target(%dma_start3A_60 : memref<128x128xf32, #tpu.memory_space<hbm>>) target_semaphore(%arg17 : memref<!tpu.dma_semaphore, #tpu.memory_space<semaphore_mem>>)
    %dma_wait3A_61 = arith.constant 0 : i32
    %dma_wait3A_62 = arith.constant 0 : i32
    %dma_wait3A_63 = tpu.memref_slice %arg4[%dma_wait3A_61, %dma_wait3A_62] : memref<800000x128xf32, #tpu.memory_space<hbm>> -> memref<128x128xf32, #tpu.memory_space<hbm>>
    %dma_wait3A_64 = arith.constant 0 : i32
    %dma_wait3A_65 = arith.constant 0 : i32
    %dma_wait3A_66 = tpu.memref_slice %arg4[%dma_wait3A_64, %dma_wait3A_65] : memref<800000x128xf32, #tpu.memory_space<hbm>> -> memref<128x128xf32, #tpu.memory_space<hbm>>
    tpu.wait_dma2 semaphore(%arg18 : memref<!tpu.dma_semaphore, #tpu.memory_space<semaphore_mem>>) src(%arg10 : memref<128x128xf32, #tpu.memory_space<vmem>>) dst(%dma_wait3A_66 : memref<128x128xf32, #tpu.memory_space<hbm>>)
    %dma_wait3A_67 = arith.constant 0 : i32
    %dma_wait3A_68 = arith.constant 0 : i32
    %dma_wait3A_69 = tpu.memref_slice %arg4[%dma_wait3A_67, %dma_wait3A_68] : memref<800000x128xf32, #tpu.memory_space<hbm>> -> memref<128x128xf32, #tpu.memory_space<hbm>>
    %dma_wait3A_70 = arith.constant 0 : i32
    %dma_wait3A_71 = arith.constant 0 : i32
    %dma_wait3A_72 = tpu.memref_slice %arg4[%dma_wait3A_70, %dma_wait3A_71] : memref<800000x128xf32, #tpu.memory_space<hbm>> -> memref<128x128xf32, #tpu.memory_space<hbm>>
    tpu.wait_dma2 semaphore(%arg15 : memref<!tpu.dma_semaphore, #tpu.memory_space<semaphore_mem>>) src(%arg7 : memref<128x128xf32, #tpu.memory_space<vmem>>) dst(%dma_wait3A_72 : memref<128x128xf32, #tpu.memory_space<hbm>>)
    %dma_wait3A_73 = arith.constant 0 : i32
    %dma_wait3A_74 = arith.constant 0 : i32
    %dma_wait3A_75 = tpu.memref_slice %arg4[%dma_wait3A_73, %dma_wait3A_74] : memref<800000x128xf32, #tpu.memory_space<hbm>> -> memref<128x128xf32, #tpu.memory_space<hbm>>
    %dma_wait3A_76 = arith.constant 0 : i32
    %dma_wait3A_77 = arith.constant 0 : i32
    %dma_wait3A_78 = tpu.memref_slice %arg4[%dma_wait3A_76, %dma_wait3A_77] : memref<800000x128xf32, #tpu.memory_space<hbm>> -> memref<128x128xf32, #tpu.memory_space<hbm>>
    tpu.wait_dma2 semaphore(%arg16 : memref<!tpu.dma_semaphore, #tpu.memory_space<semaphore_mem>>) src(%arg8 : memref<128x128xf32, #tpu.memory_space<vmem>>) dst(%dma_wait3A_78 : memref<128x128xf32, #tpu.memory_space<hbm>>)
    %dma_wait3A_79 = arith.constant 0 : i32
    %dma_wait3A_80 = arith.constant 0 : i32
    %dma_wait3A_81 = tpu.memref_slice %arg4[%dma_wait3A_79, %dma_wait3A_80] : memref<800000x128xf32, #tpu.memory_space<hbm>> -> memref<128x128xf32, #tpu.memory_space<hbm>>
    %dma_wait3A_82 = arith.constant 0 : i32
    %dma_wait3A_83 = arith.constant 0 : i32
    %dma_wait3A_84 = tpu.memref_slice %arg4[%dma_wait3A_82, %dma_wait3A_83] : memref<800000x128xf32, #tpu.memory_space<hbm>> -> memref<128x128xf32, #tpu.memory_space<hbm>>
    tpu.wait_dma2 semaphore(%arg17 : memref<!tpu.dma_semaphore, #tpu.memory_space<semaphore_mem>>) src(%arg9 : memref<128x128xf32, #tpu.memory_space<vmem>>) dst(%dma_wait3A_84 : memref<128x128xf32, #tpu.memory_space<hbm>>)
    %dma_start3A_85 = arith.constant 0 : i32
    %dma_start3A_86 = arith.constant 0 : i32
    %dma_start3A_87 = tpu.memref_slice %arg7[%dma_start3A_85, %dma_start3A_86] : memref<128x128xf32, #tpu.memory_space<vmem>> -> memref<40x128xf32, #tpu.memory_space<vmem>>
    %dma_start3A_88 = arith.constant 24960 : i32
    %dma_start3A_89 = tpu.memref_slice %arg6[%dma_start3A_88] : memref<25000xi32, #tpu.memory_space<vmem>> -> memref<40xi32, #tpu.memory_space<vmem>>
    %dma_start3A_90 = arith.constant 0 : i32
    %dma_start3A_91 = arith.constant 0 : i32
    %dma_start3A_92 = tpu.memref_slice %arg5[%dma_start3A_90, %dma_start3A_91] : memref<8x128xf32, #tpu.memory_space<vmem_shared>> -> memref<8x128xf32, #tpu.memory_space<vmem_shared>>
    tpu.enqueue_indirect_dma source(%dma_start3A_92 : memref<8x128xf32, #tpu.memory_space<vmem_shared>>) target(%dma_start3A_87 : memref<40x128xf32, #tpu.memory_space<vmem>>) offsets(%dma_start3A_89 : memref<40xi32, #tpu.memory_space<vmem>>) semaphore(%arg11 : memref<!tpu.dma_semaphore, #tpu.memory_space<semaphore_mem>>)
    %dma_wait3A_93 = arith.constant 0 : i32
    %dma_wait3A_94 = arith.constant 0 : i32
    %dma_wait3A_95 = tpu.memref_slice %arg7[%dma_wait3A_93, %dma_wait3A_94] : memref<128x128xf32, #tpu.memory_space<vmem>> -> memref<40x128xf32, #tpu.memory_space<vmem>>
    %dma_wait3A_96 = arith.constant 0 : i32
    %dma_wait3A_97 = tpu.memref_slice %arg6[%dma_wait3A_96] : memref<25000xi32, #tpu.memory_space<vmem>> -> memref<40xi32, #tpu.memory_space<vmem>>
    %dma_wait3A_98 = arith.constant 0 : i32
    %dma_wait3A_99 = arith.constant 0 : i32
    %dma_wait3A_100 = tpu.memref_slice %arg5[%dma_wait3A_98, %dma_wait3A_99] : memref<8x128xf32, #tpu.memory_space<vmem_shared>> -> memref<8x128xf32, #tpu.memory_space<vmem_shared>>
    tpu.wait_indirect_dma semaphore(%arg11 : memref<!tpu.dma_semaphore, #tpu.memory_space<semaphore_mem>>) src(%dma_wait3A_100 : memref<8x128xf32, #tpu.memory_space<vmem_shared>>) dst(%dma_wait3A_95 : memref<40x128xf32, #tpu.memory_space<vmem>>)
    %add3A_101 = arith.constant 24960 : i32
    %add3A_102 = arith.addi %mul3A_2, %add3A_101 : i32
    %dma_start3A_103 = arith.constant 0 : i32
    %dma_start3A_104 = arith.constant 0 : i32
    %dma_start3A_105 = tpu.memref_slice %arg7[%dma_start3A_103, %dma_start3A_104] : memref<128x128xf32, #tpu.memory_space<vmem>> -> memref<40x128xf32, #tpu.memory_space<vmem>>
    %dma_start3A_106 = arith.constant 0 : i32
    %dma_start3A_107 = tpu.memref_slice %arg4[%add3A_102, %dma_start3A_106] : memref<800000x128xf32, #tpu.memory_space<hbm>> -> memref<40x128xf32, #tpu.memory_space<hbm>>
    %dma_start3A_108 = arith.constant 0 : i32
    %dma_start3A_109 = tpu.memref_slice %arg4[%add3A_102, %dma_start3A_108] : memref<800000x128xf32, #tpu.memory_space<hbm>> -> memref<40x128xf32, #tpu.memory_space<hbm>>
    %dma_start3A_110 = arith.constant 0 : i32
    %dma_start3A_111 = arith.constant 0 : i32
    %dma_start3A_112 = tpu.memref_slice %arg7[%dma_start3A_110, %dma_start3A_111] : memref<128x128xf32, #tpu.memory_space<vmem>> -> memref<40x128xf32, #tpu.memory_space<vmem>>
    tpu.enqueue_dma source(%dma_start3A_112 : memref<40x128xf32, #tpu.memory_space<vmem>>) target(%dma_start3A_109 : memref<40x128xf32, #tpu.memory_space<hbm>>) target_semaphore(%arg15 : memref<!tpu.dma_semaphore, #tpu.memory_space<semaphore_mem>>)
    %dma_wait3A_113 = arith.constant 0 : i32
    %dma_wait3A_114 = arith.constant 0 : i32
    %dma_wait3A_115 = tpu.memref_slice %arg7[%dma_wait3A_113, %dma_wait3A_114] : memref<128x128xf32, #tpu.memory_space<vmem>> -> memref<40x128xf32, #tpu.memory_space<vmem>>
    %dma_wait3A_116 = arith.constant 0 : i32
    %dma_wait3A_117 = arith.constant 0 : i32
    %dma_wait3A_118 = tpu.memref_slice %arg4[%dma_wait3A_116, %dma_wait3A_117] : memref<800000x128xf32, #tpu.memory_space<hbm>> -> memref<40x128xf32, #tpu.memory_space<hbm>>
    %dma_wait3A_119 = arith.constant 0 : i32
    %dma_wait3A_120 = arith.constant 0 : i32
    %dma_wait3A_121 = tpu.memref_slice %arg4[%dma_wait3A_119, %dma_wait3A_120] : memref<800000x128xf32, #tpu.memory_space<hbm>> -> memref<40x128xf32, #tpu.memory_space<hbm>>
    %dma_wait3A_122 = arith.constant 0 : i32
    %dma_wait3A_123 = arith.constant 0 : i32
    %dma_wait3A_124 = tpu.memref_slice %arg7[%dma_wait3A_122, %dma_wait3A_123] : memref<128x128xf32, #tpu.memory_space<vmem>> -> memref<40x128xf32, #tpu.memory_space<vmem>>
    tpu.wait_dma2 semaphore(%arg15 : memref<!tpu.dma_semaphore, #tpu.memory_space<semaphore_mem>>) src(%dma_wait3A_124 : memref<40x128xf32, #tpu.memory_space<vmem>>) dst(%dma_wait3A_121 : memref<40x128xf32, #tpu.memory_space<hbm>>)
    return
  }
}

module attributes {stable_mosaic.version = 14 : i64} {
  func.func @_prep_edge_body(%arg0: memref<8x64xf32, #tpu.memory_space<vmem>>, %arg1: memref<64x128xf32, #tpu.memory_space<vmem>>, %arg2: memref<1x128xf32, #tpu.memory_space<vmem>>, %arg3: memref<1x128xf32, #tpu.memory_space<vmem>>, %arg4: memref<1x128xf32, #tpu.memory_space<vmem>>, %arg5: memref<8x128xf32, #tpu.memory_space<vmem>>) attributes {dimension_semantics = [], scalar_prefetch = 0 : i64, scratch_operands = 0 : i64, tpu.core_type = #tpu.core_type<tc>} {
    %get3A = arith.constant 0 : index
    %get3A_0 = arith.constant 0 : index
    %get3A_1 = vector.load %arg0[%get3A, %get3A_0] : memref<8x64xf32, #tpu.memory_space<vmem>>, vector<8x64xf32>
    %get3A_2 = arith.constant 0 : index
    %get3A_3 = arith.constant 0 : index
    %get3A_4 = vector.load %arg1[%get3A_2, %get3A_3] : memref<64x128xf32, #tpu.memory_space<vmem>>, vector<64x128xf32>
    %dot_general3A = arith.constant dense<0.000000e+00> : vector<8x128xf32>
    %dot_general3A_5 = tpu.matmul %get3A_1, %get3A_4, %dot_general3A {dimension_numbers = #tpu.dot_dimension_numbers<[1], [0], [0], [1], [0, 0, 1, 1], [], []>, transpose_lhs_hint = false} : vector<8x64xf32>, vector<64x128xf32>, vector<8x128xf32> -> vector<8x128xf32>
    %get3A_6 = arith.constant 0 : index
    %get3A_7 = arith.constant 0 : index
    %get3A_8 = vector.load %arg2[%get3A_6, %get3A_7] : memref<1x128xf32, #tpu.memory_space<vmem>>, vector<1x128xf32>
    %add3A = vector.broadcast %get3A_8 : vector<1x128xf32> to vector<8x128xf32>
    %add3A_9 = arith.addf %dot_general3A_5, %add3A : vector<8x128xf32>
    %logistic3A = arith.negf %add3A_9 : vector<8x128xf32>
    %logistic3A_10 = math.exp %logistic3A : vector<8x128xf32>
    %logistic3A_11 = arith.constant 1.000000e+00 : f32
    %logistic3A_12 = vector.broadcast %logistic3A_11 : f32 to vector<8x128xf32>
    %logistic3A_13 = arith.addf %logistic3A_12, %logistic3A_10 : vector<8x128xf32>
    %logistic3A_14 = arith.divf %logistic3A_12, %logistic3A_13 : vector<8x128xf32>
    %mul3A = arith.mulf %add3A_9, %logistic3A_14 : vector<8x128xf32>
    %reduce_sum3A = arith.constant dense<0.000000e+00> : vector<8xf32>
    %reduce_sum3A_15 = vector.multi_reduction <add>, %mul3A, %reduce_sum3A [1] : vector<8x128xf32> to vector<8xf32>
    %broadcast_in_dim3A = vector.shape_cast %reduce_sum3A_15 : vector<8xf32> to vector<8x1xf32>
    %div3A = arith.constant 1.280000e+02 : f32
    %div3A_16 = vector.broadcast %div3A : f32 to vector<8x1xf32>
    %div3A_17 = arith.divf %broadcast_in_dim3A, %div3A_16 : vector<8x1xf32>
    %sub3A = vector.broadcast %div3A_17 : vector<8x1xf32> to vector<8x128xf32>
    %sub3A_18 = arith.subf %mul3A, %sub3A : vector<8x128xf32>
    %integer_pow3A = arith.mulf %sub3A_18, %sub3A_18 : vector<8x128xf32>
    %reduce_sum3A_19 = arith.constant dense<0.000000e+00> : vector<8xf32>
    %reduce_sum3A_20 = vector.multi_reduction <add>, %integer_pow3A, %reduce_sum3A_19 [1] : vector<8x128xf32> to vector<8xf32>
    %broadcast_in_dim3A_21 = vector.shape_cast %reduce_sum3A_20 : vector<8xf32> to vector<8x1xf32>
    %div3A_22 = arith.constant 1.280000e+02 : f32
    %div3A_23 = vector.broadcast %div3A_22 : f32 to vector<8x1xf32>
    %div3A_24 = arith.divf %broadcast_in_dim3A_21, %div3A_23 : vector<8x1xf32>
    %sub3A_25 = vector.broadcast %div3A_17 : vector<8x1xf32> to vector<8x128xf32>
    %sub3A_26 = arith.subf %mul3A, %sub3A_25 : vector<8x128xf32>
    %add3A_27 = arith.constant 9.99999974E-6 : f32
    %add3A_28 = vector.broadcast %add3A_27 : f32 to vector<8x1xf32>
    %add3A_29 = arith.addf %div3A_24, %add3A_28 : vector<8x1xf32>
    %sqrt3A = math.sqrt %add3A_29 : vector<8x1xf32>
    %div3A_30 = vector.broadcast %sqrt3A : vector<8x1xf32> to vector<8x128xf32>
    %div3A_31 = arith.divf %sub3A_26, %div3A_30 : vector<8x128xf32>
    %get3A_32 = arith.constant 0 : index
    %get3A_33 = arith.constant 0 : index
    %get3A_34 = vector.load %arg3[%get3A_32, %get3A_33] : memref<1x128xf32, #tpu.memory_space<vmem>>, vector<1x128xf32>
    %mul3A_35 = vector.broadcast %get3A_34 : vector<1x128xf32> to vector<8x128xf32>
    %mul3A_36 = arith.mulf %div3A_31, %mul3A_35 : vector<8x128xf32>
    %get3A_37 = arith.constant 0 : index
    %get3A_38 = arith.constant 0 : index
    %get3A_39 = vector.load %arg4[%get3A_37, %get3A_38] : memref<1x128xf32, #tpu.memory_space<vmem>>, vector<1x128xf32>
    %add3A_40 = vector.broadcast %get3A_39 : vector<1x128xf32> to vector<8x128xf32>
    %add3A_41 = arith.addf %mul3A_36, %add3A_40 : vector<8x128xf32>
    %swap3A = arith.constant 0 : index
    %swap3A_42 = arith.constant 0 : index
    %swap3A_43 = vector.load %arg5[%swap3A, %swap3A_42] : memref<8x128xf32, #tpu.memory_space<vmem>>, vector<8x128xf32>
    tpu.vector_store %arg5[%swap3A, %swap3A_42], %add3A_41 {strides = array<i32>} : memref<8x128xf32, #tpu.memory_space<vmem>>, vector<8x128xf32>,
    return
  }
}

module attributes {stable_mosaic.version = 14 : i64} {
  func.func @_prep_node_body(%arg0: memref<49x1024xi32, #tpu.memory_space<vmem>>, %arg1: memref<256x1xi32, #tpu.memory_space<vmem>>, %arg2: memref<128x64xf32, #tpu.memory_space<vmem>>, %arg3: memref<1024x64xf32, #tpu.memory_space<vmem>>, %arg4: memref<1024x64xf32, #tpu.memory_space<vmem>>, %arg5: memref<192x256xf32, #tpu.memory_space<vmem>>, %arg6: memref<1x256xf32, #tpu.memory_space<vmem>>, %arg7: memref<128x256xf32, #tpu.memory_space<vmem>>, %arg8: memref<256x256xf32, #tpu.memory_space<vmem>>) attributes {dimension_semantics = [], scalar_prefetch = 0 : i64, scratch_operands = 0 : i64, tpu.core_type = #tpu.core_type<tc>} {
    %iota3A = tpu.iota {dimensions = array<i32: 0>} : vector<256x1024xi32>
    %broadcast_in_dim3A = arith.constant 0.000000e+00 : f32
    %broadcast_in_dim3A_0 = vector.broadcast %broadcast_in_dim3A : f32 to vector<256x1xf32>
    %scan3A = arith.constant 0 : i32
    %scan3A_1 = arith.constant 49 : i32
    %scan3A_2 = arith.addi %scan3A, %scan3A_1 : i32
    %scan3A_3 = arith.constant 1 : i32
    %scan3A_4 = scf.for %scan3A_52 = %scan3A to %scan3A_2 step %scan3A_3 iter_args(%scan3A_53 = %broadcast_in_dim3A_0) -> (vector<256x1xf32>)  : i32 {
      %get3A_54 = arith.index_cast %scan3A_52 : i32 to index
      %get3A_55 = arith.constant 0 : index
      %get3A_56 = vector.load %arg0[%get3A_54, %get3A_55] : memref<49x1024xi32, #tpu.memory_space<vmem>>, vector<1x1024xi32>
      %eq3A_57 = vector.broadcast %get3A_56 : vector<1x1024xi32> to vector<256x1024xi32>
      %eq3A_58 = arith.cmpi eq, %eq3A_57, %iota3A : vector<256x1024xi32>
      %convert_element_type3A_59 = arith.extui %eq3A_58 : vector<256x1024xi1> to vector<256x1024xi32>
      %convert_element_type3A_60 = arith.sitofp %convert_element_type3A_59 : vector<256x1024xi32> to vector<256x1024xf32>
      %reduce_sum3A = arith.constant dense<0.000000e+00> : vector<256xf32>
      %reduce_sum3A_61 = vector.multi_reduction <add>, %convert_element_type3A_60, %reduce_sum3A [1] : vector<256x1024xf32> to vector<256xf32>
      %broadcast_in_dim3A_62 = vector.shape_cast %reduce_sum3A_61 : vector<256xf32> to vector<256x1xf32>
      %add3A_63 = arith.addf %scan3A_53, %broadcast_in_dim3A_62 : vector<256x1xf32>
      scf.yield %add3A_63 : vector<256x1xf32>
    }
    %scan3A_5 = arith.constant 49 : i32
    %convert_element_type3A = arith.fptosi %scan3A_4 : vector<256x1xf32> to vector<256x1xi32>
    %jit3A = arith.constant 0 : i32
    %jit3A_6 = arith.constant 1023 : i32
    %max3A = vector.broadcast %jit3A : i32 to vector<256x1xi32>
    %max3A_7 = arith.maxsi %max3A, %convert_element_type3A : vector<256x1xi32>
    %min3A = vector.broadcast %jit3A_6 : i32 to vector<256x1xi32>
    %min3A_8 = arith.minsi %min3A, %max3A_7 : vector<256x1xi32>
    %iota3A_9 = tpu.iota {dimensions = array<i32: 1>} : vector<256x1024xi32>
    %eq3A = vector.broadcast %min3A_8 : vector<256x1xi32> to vector<256x1024xi32>
    %eq3A_10 = arith.cmpi eq, %eq3A, %iota3A_9 : vector<256x1024xi32>
    %convert_element_type3A_11 = arith.extui %eq3A_10 : vector<256x1024xi1> to vector<256x1024xi32>
    %convert_element_type3A_12 = arith.sitofp %convert_element_type3A_11 : vector<256x1024xi32> to vector<256x1024xf32>
    %get3A = arith.constant 0 : index
    %get3A_13 = arith.constant 0 : index
    %get3A_14 = vector.load %arg3[%get3A, %get3A_13] : memref<1024x64xf32, #tpu.memory_space<vmem>>, vector<1024x64xf32>
    %dot_general3A = arith.constant dense<0.000000e+00> : vector<256x64xf32>
    %dot_general3A_15 = tpu.matmul %convert_element_type3A_12, %get3A_14, %dot_general3A {dimension_numbers = #tpu.dot_dimension_numbers<[1], [0], [0], [1], [0, 0, 1, 1], [], []>, transpose_lhs_hint = false} : vector<256x1024xf32>, vector<1024x64xf32>, vector<256x64xf32> -> vector<256x64xf32>
    %get3A_16 = arith.constant 0 : index
    %get3A_17 = arith.constant 0 : index
    %get3A_18 = vector.load %arg1[%get3A_16, %get3A_17] : memref<256x1xi32, #tpu.memory_space<vmem>>, vector<256x1xi32>
    %eq3A_19 = vector.broadcast %get3A_18 : vector<256x1xi32> to vector<256x1024xi32>
    %eq3A_20 = arith.cmpi eq, %eq3A_19, %iota3A_9 : vector<256x1024xi32>
    %convert_element_type3A_21 = arith.extui %eq3A_20 : vector<256x1024xi1> to vector<256x1024xi32>
    %convert_element_type3A_22 = arith.sitofp %convert_element_type3A_21 : vector<256x1024xi32> to vector<256x1024xf32>
    %get3A_23 = arith.constant 0 : index
    %get3A_24 = arith.constant 0 : index
    %get3A_25 = vector.load %arg4[%get3A_23, %get3A_24] : memref<1024x64xf32, #tpu.memory_space<vmem>>, vector<1024x64xf32>
    %dot_general3A_26 = arith.constant dense<0.000000e+00> : vector<256x64xf32>
    %dot_general3A_27 = tpu.matmul %convert_element_type3A_22, %get3A_25, %dot_general3A_26 {dimension_numbers = #tpu.dot_dimension_numbers<[1], [0], [0], [1], [0, 0, 1, 1], [], []>, transpose_lhs_hint = false} : vector<256x1024xf32>, vector<1024x64xf32>, vector<256x64xf32> -> vector<256x64xf32>
    %get3A_28 = arith.constant 0 : index
    %get3A_29 = arith.constant 0 : index
    %get3A_30 = vector.load %arg5[%get3A_28, %get3A_29] : memref<192x256xf32, #tpu.memory_space<vmem>>, vector<192x256xf32>
    %slice3A = vector.extract_strided_slice %get3A_30 {offsets = [64, 0], sizes = [64, 256], strides = [1, 1]} : vector<192x256xf32> to vector<64x256xf32>
    %dot_general3A_31 = arith.constant dense<0.000000e+00> : vector<256x256xf32>
    %dot_general3A_32 = tpu.matmul %dot_general3A_15, %slice3A, %dot_general3A_31 {dimension_numbers = #tpu.dot_dimension_numbers<[1], [0], [0], [1], [0, 0, 1, 1], [], []>, transpose_lhs_hint = false} : vector<256x64xf32>, vector<64x256xf32>, vector<256x256xf32> -> vector<256x256xf32>
    %slice3A_33 = vector.extract_strided_slice %get3A_30 {offsets = [128, 0], sizes = [64, 256], strides = [1, 1]} : vector<192x256xf32> to vector<64x256xf32>
    %dot_general3A_34 = arith.constant dense<0.000000e+00> : vector<256x256xf32>
    %dot_general3A_35 = tpu.matmul %dot_general3A_27, %slice3A_33, %dot_general3A_34 {dimension_numbers = #tpu.dot_dimension_numbers<[1], [0], [0], [1], [0, 0, 1, 1], [], []>, transpose_lhs_hint = false} : vector<256x64xf32>, vector<64x256xf32>, vector<256x256xf32> -> vector<256x256xf32>
    %add3A = arith.addf %dot_general3A_32, %dot_general3A_35 : vector<256x256xf32>
    %get3A_36 = arith.constant 0 : index
    %get3A_37 = arith.constant 0 : index
    %get3A_38 = vector.load %arg6[%get3A_36, %get3A_37] : memref<1x256xf32, #tpu.memory_space<vmem>>, vector<1x256xf32>
    %add3A_39 = vector.broadcast %get3A_38 : vector<1x256xf32> to vector<256x256xf32>
    %add3A_40 = arith.addf %add3A, %add3A_39 : vector<256x256xf32>
    %swap3A = arith.constant 0 : index
    %swap3A_41 = arith.constant 0 : index
    %swap3A_42 = vector.load %arg8[%swap3A, %swap3A_41] : memref<256x256xf32, #tpu.memory_space<vmem>>, vector<256x256xf32>
    tpu.vector_store %arg8[%swap3A, %swap3A_41], %add3A_40 {strides = array<i32>} : memref<256x256xf32, #tpu.memory_space<vmem>>, vector<256x256xf32>,
    %get3A_43 = arith.constant 0 : index
    %get3A_44 = arith.constant 0 : index
    %get3A_45 = vector.load %arg2[%get3A_43, %get3A_44] : memref<128x64xf32, #tpu.memory_space<vmem>>, vector<128x64xf32>
    %slice3A_46 = vector.extract_strided_slice %get3A_30 {offsets = [0, 0], sizes = [64, 256], strides = [1, 1]} : vector<192x256xf32> to vector<64x256xf32>
    %dot_general3A_47 = arith.constant dense<0.000000e+00> : vector<128x256xf32>
    %dot_general3A_48 = tpu.matmul %get3A_45, %slice3A_46, %dot_general3A_47 {dimension_numbers = #tpu.dot_dimension_numbers<[1], [0], [0], [1], [0, 0, 1, 1], [], []>, transpose_lhs_hint = false} : vector<128x64xf32>, vector<64x256xf32>, vector<128x256xf32> -> vector<128x256xf32>
    %swap3A_49 = arith.constant 0 : index
    %swap3A_50 = arith.constant 0 : index
    %swap3A_51 = vector.load %arg7[%swap3A_49, %swap3A_50] : memref<128x256xf32, #tpu.memory_space<vmem>>, vector<128x256xf32>
    tpu.vector_store %arg7[%swap3A_49, %swap3A_50], %dot_general3A_48 {strides = array<i32>} : memref<128x256xf32, #tpu.memory_space<vmem>>, vector<128x256xf32>,
    return
  }
}

module attributes {stable_mosaic.version = 14 : i64} {
  func.func @_node_body(%arg0: i32, %arg1: memref<1x1x1024xi32, #tpu.memory_space<vmem>>, %arg2: memref<1x1x1024xi32, #tpu.memory_space<vmem>>, %arg3: memref<128x256xf32, #tpu.memory_space<vmem>>, %arg4: memref<256x256xf32, #tpu.memory_space<vmem>>, %arg5: memref<1x256xf32, #tpu.memory_space<vmem>>, %arg6: memref<1x256xf32, #tpu.memory_space<vmem>>, %arg7: memref<1024x256xf32, #tpu.memory_space<vmem>>) attributes {dimension_semantics = [#tpu.dimension_semantics<arbitrary>], iteration_bounds = array<i64: 49>, scalar_prefetch = 0 : i64, scratch_operands = 0 : i64, tpu.core_type = #tpu.core_type<tc>, window_params = [{transform_indices = @transform_0, window_bounds = array<i64: 1, 1, 1024>}, {transform_indices = @transform_1, window_bounds = array<i64: 1, 1, 1024>}, {pipeline_mode = #tpu.pipeline_mode<synchronous>, transform_indices = @transform_2, window_bounds = array<i64: 128, 256>}, {pipeline_mode = #tpu.pipeline_mode<synchronous>, transform_indices = @transform_3, window_bounds = array<i64: 256, 256>}, {pipeline_mode = #tpu.pipeline_mode<synchronous>, transform_indices = @transform_4, window_bounds = array<i64: 1, 256>}, {pipeline_mode = #tpu.pipeline_mode<synchronous>, transform_indices = @transform_5, window_bounds = array<i64: 1, 256>}, {transform_indices = @transform_6, window_bounds = array<i64: 1024, 256>}]} {
    %get3A = arith.constant 0 : index
    %get3A_0 = arith.constant 0 : index
    %get3A_1 = arith.constant 0 : index
    %get3A_2 = vector.load %arg1[%get3A, %get3A_0, %get3A_1] : memref<1x1x1024xi32, #tpu.memory_space<vmem>>, vector<1x1x1024xi32>
    %get3A_3 = vector.shape_cast %get3A_2 : vector<1x1x1024xi32> to vector<1x1024xi32>
    %get3A_4 = arith.constant 0 : index
    %get3A_5 = arith.constant 0 : index
    %get3A_6 = arith.constant 0 : index
    %get3A_7 = vector.load %arg2[%get3A_4, %get3A_5, %get3A_6] : memref<1x1x1024xi32, #tpu.memory_space<vmem>>, vector<1x1x1024xi32>
    %get3A_8 = vector.shape_cast %get3A_7 : vector<1x1x1024xi32> to vector<1x1024xi32>
    %iota3A = tpu.iota {dimensions = array<i32: 0>} : vector<128x1024xi32>
    %iota3A_9 = tpu.iota {dimensions = array<i32: 0>} : vector<256x1024xi32>
    %eq3A = vector.broadcast %get3A_3 : vector<1x1024xi32> to vector<128x1024xi32>
    %eq3A_10 = arith.cmpi eq, %eq3A, %iota3A : vector<128x1024xi32>
    %convert_element_type3A = arith.extui %eq3A_10 : vector<128x1024xi1> to vector<128x1024xi32>
    %convert_element_type3A_11 = arith.sitofp %convert_element_type3A : vector<128x1024xi32> to vector<128x1024xf32>
    %eq3A_12 = vector.broadcast %get3A_8 : vector<1x1024xi32> to vector<256x1024xi32>
    %eq3A_13 = arith.cmpi eq, %eq3A_12, %iota3A_9 : vector<256x1024xi32>
    %convert_element_type3A_14 = arith.extui %eq3A_13 : vector<256x1024xi1> to vector<256x1024xi32>
    %convert_element_type3A_15 = arith.sitofp %convert_element_type3A_14 : vector<256x1024xi32> to vector<256x1024xf32>
    %get3A_16 = arith.constant 0 : index
    %get3A_17 = arith.constant 0 : index
    %get3A_18 = vector.load %arg3[%get3A_16, %get3A_17] : memref<128x256xf32, #tpu.memory_space<vmem>>, vector<128x256xf32>
    %dot_general3A = arith.constant dense<0.000000e+00> : vector<1024x256xf32>
    %dot_general3A_19 = tpu.matmul %convert_element_type3A_11, %get3A_18, %dot_general3A {dimension_numbers = #tpu.dot_dimension_numbers<[0], [0], [1], [1], [0, 1, 1, 1], [], []>, transpose_lhs_hint = false} : vector<128x1024xf32>, vector<128x256xf32>, vector<1024x256xf32> -> vector<1024x256xf32>
    %get3A_20 = arith.constant 0 : index
    %get3A_21 = arith.constant 0 : index
    %get3A_22 = vector.load %arg4[%get3A_20, %get3A_21] : memref<256x256xf32, #tpu.memory_space<vmem>>, vector<256x256xf32>
    %dot_general3A_23 = arith.constant dense<0.000000e+00> : vector<1024x256xf32>
    %dot_general3A_24 = tpu.matmul %convert_element_type3A_15, %get3A_22, %dot_general3A_23 {dimension_numbers = #tpu.dot_dimension_numbers<[0], [0], [1], [1], [0, 1, 1, 1], [], []>, transpose_lhs_hint = false} : vector<256x1024xf32>, vector<256x256xf32>, vector<1024x256xf32> -> vector<1024x256xf32>
    %add3A = arith.addf %dot_general3A_19, %dot_general3A_24 : vector<1024x256xf32>
    %logistic3A = arith.negf %add3A : vector<1024x256xf32>
    %logistic3A_25 = math.exp %logistic3A : vector<1024x256xf32>
    %logistic3A_26 = arith.constant 1.000000e+00 : f32
    %logistic3A_27 = vector.broadcast %logistic3A_26 : f32 to vector<1024x256xf32>
    %logistic3A_28 = arith.addf %logistic3A_27, %logistic3A_25 : vector<1024x256xf32>
    %logistic3A_29 = arith.divf %logistic3A_27, %logistic3A_28 : vector<1024x256xf32>
    %mul3A = arith.mulf %add3A, %logistic3A_29 : vector<1024x256xf32>
    %reduce_sum3A = arith.constant dense<0.000000e+00> : vector<1024xf32>
    %reduce_sum3A_30 = vector.multi_reduction <add>, %mul3A, %reduce_sum3A [1] : vector<1024x256xf32> to vector<1024xf32>
    %broadcast_in_dim3A = vector.shape_cast %reduce_sum3A_30 : vector<1024xf32> to vector<1024x1xf32>
    %div3A = arith.constant 2.560000e+02 : f32
    %div3A_31 = vector.broadcast %div3A : f32 to vector<1024x1xf32>
    %div3A_32 = arith.divf %broadcast_in_dim3A, %div3A_31 : vector<1024x1xf32>
    %sub3A = vector.broadcast %div3A_32 : vector<1024x1xf32> to vector<1024x256xf32>
    %sub3A_33 = arith.subf %mul3A, %sub3A : vector<1024x256xf32>
    %integer_pow3A = arith.mulf %sub3A_33, %sub3A_33 : vector<1024x256xf32>
    %reduce_sum3A_34 = arith.constant dense<0.000000e+00> : vector<1024xf32>
    %reduce_sum3A_35 = vector.multi_reduction <add>, %integer_pow3A, %reduce_sum3A_34 [1] : vector<1024x256xf32> to vector<1024xf32>
    %broadcast_in_dim3A_36 = vector.shape_cast %reduce_sum3A_35 : vector<1024xf32> to vector<1024x1xf32>
    %div3A_37 = arith.constant 2.560000e+02 : f32
    %div3A_38 = vector.broadcast %div3A_37 : f32 to vector<1024x1xf32>
    %div3A_39 = arith.divf %broadcast_in_dim3A_36, %div3A_38 : vector<1024x1xf32>
    %sub3A_40 = vector.broadcast %div3A_32 : vector<1024x1xf32> to vector<1024x256xf32>
    %sub3A_41 = arith.subf %mul3A, %sub3A_40 : vector<1024x256xf32>
    %add3A_42 = arith.constant 9.99999974E-6 : f32
    %add3A_43 = vector.broadcast %add3A_42 : f32 to vector<1024x1xf32>
    %add3A_44 = arith.addf %div3A_39, %add3A_43 : vector<1024x1xf32>
    %sqrt3A = math.sqrt %add3A_44 : vector<1024x1xf32>
    %div3A_45 = vector.broadcast %sqrt3A : vector<1024x1xf32> to vector<1024x256xf32>
    %div3A_46 = arith.divf %sub3A_41, %div3A_45 : vector<1024x256xf32>
    %get3A_47 = arith.constant 0 : index
    %get3A_48 = arith.constant 0 : index
    %get3A_49 = vector.load %arg5[%get3A_47, %get3A_48] : memref<1x256xf32, #tpu.memory_space<vmem>>, vector<1x256xf32>
    %mul3A_50 = vector.broadcast %get3A_49 : vector<1x256xf32> to vector<1024x256xf32>
    %mul3A_51 = arith.mulf %div3A_46, %mul3A_50 : vector<1024x256xf32>
    %get3A_52 = arith.constant 0 : index
    %get3A_53 = arith.constant 0 : index
    %get3A_54 = vector.load %arg6[%get3A_52, %get3A_53] : memref<1x256xf32, #tpu.memory_space<vmem>>, vector<1x256xf32>
    %add3A_55 = vector.broadcast %get3A_54 : vector<1x256xf32> to vector<1024x256xf32>
    %add3A_56 = arith.addf %mul3A_51, %add3A_55 : vector<1024x256xf32>
    %swap3A = arith.constant 0 : index
    %swap3A_57 = arith.constant 0 : index
    %swap3A_58 = vector.load %arg7[%swap3A, %swap3A_57] : memref<1024x256xf32, #tpu.memory_space<vmem>>, vector<1024x256xf32>
    tpu.vector_store %arg7[%swap3A, %swap3A_57], %add3A_56 {strides = array<i32>} : memref<1024x256xf32, #tpu.memory_space<vmem>>, vector<1024x256xf32>,
    return
  }
  func.func @transform_0(%arg0: i32) -> (i32, i32, i32) {
    %c0_i32 = arith.constant 0 : i32
    %c0_i32_0 = arith.constant 0 : i32
    %c0_i32_1 = arith.constant 0 : i32
    return %arg0, %c0_i32, %c0_i32_0 : i32, i32, i32
  }
  func.func @transform_1(%arg0: i32) -> (i32, i32, i32) {
    %c0_i32 = arith.constant 0 : i32
    %c0_i32_0 = arith.constant 0 : i32
    %c0_i32_1 = arith.constant 0 : i32
    return %arg0, %c0_i32, %c0_i32_0 : i32, i32, i32
  }
  func.func @transform_2(%arg0: i32) -> (i32, i32) {
    %c0_i32 = arith.constant 0 : i32
    %c0_i32_0 = arith.constant 0 : i32
    %c0_i32_1 = arith.constant 0 : i32
    return %c0_i32, %c0_i32_0 : i32, i32
  }
  func.func @transform_3(%arg0: i32) -> (i32, i32) {
    %c0_i32 = arith.constant 0 : i32
    %c0_i32_0 = arith.constant 0 : i32
    %c0_i32_1 = arith.constant 0 : i32
    return %c0_i32, %c0_i32_0 : i32, i32
  }
  func.func @transform_4(%arg0: i32) -> (i32, i32) {
    %c0_i32 = arith.constant 0 : i32
    %c0_i32_0 = arith.constant 0 : i32
    %c0_i32_1 = arith.constant 0 : i32
    return %c0_i32, %c0_i32_0 : i32, i32
  }
  func.func @transform_5(%arg0: i32) -> (i32, i32) {
    %c0_i32 = arith.constant 0 : i32
    %c0_i32_0 = arith.constant 0 : i32
    %c0_i32_1 = arith.constant 0 : i32
    return %c0_i32, %c0_i32_0 : i32, i32
  }
  func.func @transform_6(%arg0: i32) -> (i32, i32) {
    %c0_i32 = arith.constant 0 : i32
    %c0_i32_0 = arith.constant 0 : i32
    return %arg0, %c0_i32 : i32, i32
  }
}

</mosaic_0001>

<sc_bundles>
// kernel: kernel.6.cloned.1.call-start
scs
__scs_entry_jumppad:
0x0: {  	(pc) =	sbr.rel $0x88, $3  }
0x1: {  	(tag) =	ssettag $0x0;
	lr =	simm.s32 $0x1  }
0x2: {  	[smem:$0x3F90] =	sst lr;
	_ =	strace $0xD0000000  }
0x3: {  	_ = 	snop  }
0x4: {  	_ = 	snop  }
0x5: {  	_ = 	snop  }
0x6: {  	_ = 	snop  }
0x7: {  	_ = 	snop  }
__scs_overlays_trampoline_lowered:
0x8: {  	[smem:$0x3F9F] =	sst s0  }
0x9: {  	[smem:$0x3FA0] =	sst s1  }
0xa: {  	[smem:$0x3FA1] =	sst s2  }
0xb: {  	[smem:$0x3FA2] =	sst s3  }
0xc: {  	[smem:$0x3FA3] =	sst s4  }
0xd: {  	[smem:$0x3FA4] =	sst s5  }
0xe: {  	[smem:$0x3FA5] =	sst s6  }
0xf: {  	[smem:$0x3FA6] =	sst s7  }
0x10: {  	[smem:$0x3FA7] =	sst s8  }
0x11: {  	[smem:$0x3FA8] =	sst s9;
	s0 =	simm.s32 @!p0 $0x0  }
0x12: {  	s1 =	sld [smem:$0x3F8E];
	s0 =	simm.s32 @p0 $0x1  }
0x13: {  	[smem:$0x3FA9] =	sst s0;
	s0 =	simm.s32 @!p1 $0x0  }
0x14: {  	s2 =	sld [smem:$0x3F8D];
	s0 =	simm.s32 @p1 $0x1  }
0x15: {  	[smem:$0x3FAA] =	sst s0;
	s0 =	simm.s32 @!p2 $0x0  }
0x16: {  	s3 =	sld [smem:$0x3FDB];
	s0 =	simm.s32 @p2 $0x1  }
0x17: {  	s4 =	simm.s32 $0x1BF5;
	[smem:$0x3FAC] =	sst s0  }
0x18: {  	s0 =	sld [smem:$0x3F8F];
	_ =	swait.ge [sflag:s4], $0x0  }
0x19: {  	s7 =	sld [smem:$0x3F90]  }
0x1a: {  	s8 =	sadd.s32 $0xFFFFE003, lr  }
0x1b: {  	s9 =	sadd.s32 $0xFFFFFEF7, lr;
	s5 =	simm.s32 $0xFFFFFFFF;
	p2 =	slt.u32 s8, $0xFFFFF086  }
0x1c: {  	p1 =	slt.u32 s9, $0xF7A;
	s5 =	simm.s32 @!p2 $0x0  }
0x1d: {  	s5 =	simm.s32 @p1 $0x1;
	p0 =	seq.s32 s7, s2  }
0x1e: {  	s7 =	smul.u32 @!p0 $0xF7A, s2;
	p2 =	seq.s32 @!p0 s5, $0x0  }
0x1f: {  	s9 =	smul.u32 $0xF7A, s1;
	s8 =	simm.s32 @!p0 $0x1BF5;
	p2 =	por !p2, p0  }
0x20: {  	[sflag:s8] =	ssyncset.s32 @!p0 $0xFFFFF086;
	s6 =	sadd.s32 @!p0 s3, s7;
	s7 =	simm.s32 @!p0 $0x108  }
0x21: {  	s3 =	sadd.s32 s3, s9;
	s6 =	sadd.s32 @!p0 $0x88, s6;
	s7 =	simm.s32 @p2 $0x1082  }
0x22: {  	[simem:s7], [sflag:s8] =	dma.local @!p0 [hbm:s6], $0xF7A  }
0x23: {  	s9 =	sor.u32 $0xD0000000, s2;
	s6 =	simm.s32 $0x108;
	_ =	swait.ge @!p0 [sflag:s8], $0x0  }
0x24: {  	s3 =	sadd.s32 $0x88, s3;
	s6 =	simm.s32 @!p1 $0x1082;
	[sflag:s4] =	ssyncset.s32 $0xFFFFF086  }
0x25: {  	[simem:s6], [sflag:s4] =	dma.local [hbm:s3], $0xF7A  }
0x26: {  	[smem:$0x3F90] =	sst s1;
	(tag) =	ssettag s2;
	_ =	strace s9  }
0x27: {  	s1 =	sld [smem:$0x3FA0]  }
0x28: {  	s2 =	sld [smem:$0x3FA1]  }
0x29: {  	s4 =	sld [smem:$0x3FA3]  }
0x2a: {  	p0 =	seq.s32 s5, $0x0;
	s5 =	sld [smem:$0x3FA4]  }
0x2b: {  	s6 =	sld [smem:$0x3FA5]  }
0x2c: {  	s7 =	sld [smem:$0x3FA6]  }
0x2d: {  	s3 =	simm.s32 $0x108;
	s8 =	sld [smem:$0x3FA7]  }
0x2e: {  	s3 =	simm.s32 @!p0 $0x1082;
	s9 =	sld [smem:$0x3FA8]  }
0x2f: {  	lr =	sadd.s32 s0, s3;
	s0 =	sld [smem:$0x3F9F]  }
0x30: {  	s3 =	sld [smem:$0x3FA2]  }
0x31: {  	[smem:$0x3FAB] =	sst s10  }
0x32: {  	s10 =	sld [smem:$0x3FA9];
	_ =	sdelay $0x3  }
0x33: {  	p0 =	seq.s32 s10, $0x1;
	s10 =	sld [smem:$0x3FAB];
	_ =	sdelay $0x3  }
0x34: {  	[smem:$0x3FAB] =	sst s10  }
0x35: {  	s10 =	sld [smem:$0x3FAA];
	_ =	sdelay $0x3  }
0x36: {  	p1 =	seq.s32 s10, $0x1;
	s10 =	sld [smem:$0x3FAB];
	_ =	sdelay $0x3  }
0x37: {  	[smem:$0x3FAB] =	sst s10  }
0x38: {  	s10 =	sld [smem:$0x3FAC]  }
0x39: {  	_ = 	snop;
	(pc) =	sbr.ind lr, $3  }
0x3a: {  	_ = 	snop  }
0x3b: {  	_ = 	snop  }
0x3c: {  	p2 =	seq.s32 s10, $0x1;
	s10 =	sld [smem:$0x3FAB]  }
0x3d: {  	_ =	shalt  }
0x3e: {  	_ =	shalt  }
0x3f: {  	_ =	shalt  }
0x40: {  	_ =	shalt  }
0x41: {  	_ =	shalt  }
0x42: {  	_ =	shalt  }
0x43: {  	_ =	shalt  }
0x44: {  	_ =	shalt  }
0x45: {  	_ =	shalt  }
0x46: {  	_ =	shalt  }
0x47: {  	_ =	shalt  }
0x48: {  	_ =	shalt  }
0x49: {  	_ =	shalt  }
0x4a: {  	_ =	shalt  }
0x4b: {  	_ =	shalt  }
0x4c: {  	_ =	shalt  }
0x4d: {  	_ =	shalt  }
0x4e: {  	_ =	shalt  }
0x4f: {  	_ =	shalt  }
0x50: {  	_ =	shalt  }
0x51: {  	_ =	shalt  }
0x52: {  	_ =	shalt  }
0x53: {  	_ =	shalt  }
0x54: {  	_ =	shalt  }
0x55: {  	_ =	shalt  }
0x56: {  	_ =	shalt  }
0x57: {  	_ =	shalt  }
0x58: {  	_ =	shalt  }
0x59: {  	_ =	shalt  }
0x5a: {  	_ =	shalt  }
0x5b: {  	_ =	shalt  }
0x5c: {  	_ =	shalt  }
0x5d: {  	_ =	shalt  }
0x5e: {  	_ =	shalt  }
0x5f: {  	_ =	shalt  }
0x60: {  	_ =	shalt  }
0x61: {  	_ =	shalt  }
0x62: {  	_ =	shalt  }
0x63: {  	_ =	shalt  }
0x64: {  	_ =	shalt  }
0x65: {  	_ =	shalt  }
0x66: {  	_ =	shalt  }
0x67: {  	_ =	shalt  }
0x68: {  	_ =	shalt  }
0x69: {  	_ =	shalt  }
0x6a: {  	_ =	shalt  }
0x6b: {  	_ =	shalt  }
0x6c: {  	_ =	shalt  }
0x6d: {  	_ =	shalt  }
0x6e: {  	_ =	shalt  }
0x6f: {  	_ =	shalt  }
0x70: {  	_ =	shalt  }
0x71: {  	_ =	shalt  }
0x72: {  	_ =	shalt  }
0x73: {  	_ =	shalt  }
0x74: {  	_ =	shalt  }
0x75: {  	_ =	shalt  }
0x76: {  	_ =	shalt  }
0x77: {  	_ =	shalt  }
0x78: {  	_ =	shalt  }
0x79: {  	_ =	shalt  }
0x7a: {  	_ =	shalt  }
0x7b: {  	_ =	shalt  }
0x7c: {  	_ =	shalt  }
0x7d: {  	_ =	shalt  }
0x7e: {  	_ =	shalt  }
0x7f: {  	_ =	shalt  }
0x80: {  	_ =	shalt  }
0x81: {  	_ =	shalt  }
0x82: {  	_ =	shalt  }
0x83: {  	_ =	shalt  }
0x84: {  	_ =	shalt  }
0x85: {  	_ =	shalt  }
0x86: {  	_ =	shalt  }
0x87: {  	_ =	shalt  }
.Lfunc_end0:
.L_simem_size_0:
called_computation_lowered:
.L_overlay_start_0:
0x88: {  	s2 =	sld [smem:$0x3FD9]  }
0x89: {  	s3 =	sld [smem:$0x3FFE];
	_ =	sdelay $0x1  }
0x8a: {  	s1 =	srdreg.scid  }
0x8b: {  	s0 =	sand.u32 $0x1, s1  }
0x8c: {  	s14 =	sshll.u32 s0, $0xA;
	s2 =	sadd.s32 s3, s2  }
0x8d: {  	s2 =	sadd.s32 s2, s14  }
0x8e: {  	[smem:$0x3FB7] =	sst s2  }
0x8f: {  	_ = 	snop  }
0x90: {  	s2 =	sld [smem:$0x3FD0];
	_ =	sdelay $0x2  }
0x91: {  	s4 =	simm.s32 $0xA;
	s5 =	simm.s32 $0x10;
	s15 =	sld [smem:$0x3FC8]  }
0x92: {  	[smem:s5], [sflag:s4] =	dma.local [hbm:s2], $0x1  }
0x93: {  	_ =	swait.eq [sflag:s4], $0x1  }
0x94: {  	[sflag:s4] =	ssyncset.done $0x0  }
0x95: {  	[sflag:s4] =	ssyncadd.s32 $0xFFFFFFFF  }
0x96: {  	s16 =	sld [smem:$0x13];
	(tm) =	ssettm $0x1  }
0x97: {  	s17 =	sld [smem:$0x3FFB];
	_ =	sdelay $0x3  }
0x98: {  	_ =	strace s17  }
0x99: {  	s4 =	sld [smem:$0x3FFC];
	_ =	sdelay $0x3  }
0x9a: {  	_ =	strace s4  }
0x9b: {  	s4 =	sld [smem:$0x3FFD];
	_ =	sdelay $0x3  }
0x9c: {  	_ =	strace s4  }
0x9d: {  	_ =	strace $0x8FFFFFFF  }
0x9e: {  	s18 =	sld [smem:$0x3FDB];
	_ =	sdelay $0x1  }
0x9f: {  	s19 =	simm.s32 $_scs_section_size  }
0xa0: {  	s6 =	simm.s32 $_size__tile_overlayer_lowered;
	s7 =	simm.s32 $_tile_overlayer_lowered  }
0xa1: {  	s22 =	simm.s32 $0x1BFF;
	s21 =	sshll.u32 s7, $0x1;
	s4 =	sadd.s32 s19, s18  }
0xa2: {  	s8 =	simm.s32 $0x0;
	s20 =	sshll.u32 s6, $0x1;
	s6 =	sadd.s32 s21, s4  }
0xa3: {  	[timem:s8], [sflag:s22] =	dma.local [hbm:s6], s20  }
0xa4: {  	_ =	swait.ge [sflag:s22], s20  }
0xa5: {  	s5 =	ssub.s32 $0x0, s20;
	[sflag:s22] =	ssyncset.done $0x0  }
0xa6: {  	[sflag:s22] =	ssyncadd.s32 s5;
	_ =	sdelay $0x1  }
0xa7: {  	s23 =	simm.s32 $0x1B8B  }
0xa8: {  	_ =	swait.ge [sflag:s23], $0x1  }
0xa9: {  	[sflag:s23] =	ssyncset.done $0x0  }
0xaa: {  	s25 =	simm.s32 $0x1B8E;
	s24 =	sld [smem:$0x3FFE];
	[sflag:s23] =	ssyncadd.s32 $0xFFFFFFFF  }
0xab: {  	s26 =	simm.s32 $execute0_lowered;
	[smem:$0x3FD2] =	sst s25  }
0xac: {  	s6 =	sshll.u32 s26, $0x1;
	_ =	strace $0x80000046;
	[dreg:$0x1] =	wrdreg $0xFFFFFFFF  }
0xad: {  	s28 =	simm.s32 $_size_execute0_lowered;
	s4 =	sadd.s32 s4, s6;
	[dreg:$0x0] =	wrdreg $0x0  }
0xae: {  	s6 =	sshll.u32 s28, $0x1;
	[dreg:$0x2] =	wrdreg s4  }
0xaf: {  	[dreg:$0x3] =	wrdreg s6  }
0xb0: {  	[dreg:$0x4] =	wrdreg $0xC0  }
0xb1: {  	_ =	task [dreg:s8], $0x5FFFF  }
0xb2: {  	[dreg:$0x1] =	wrdreg $0xFFFFFFFF  }
0xb3: {  	[dreg:$0x0] =	wrdreg $0x60  }
0xb4: {  	[dreg:$0x2] =	wrdreg s24  }
0xb5: {  	[dreg:$0x3] =	wrdreg s15  }
0xb6: {  	[dreg:$0x4] =	wrdreg s16  }
0xb7: {  	[dreg:$0x5] =	wrdreg $0x0  }
0xb8: {  	[dreg:$0x6] =	wrdreg $0x9  }
0xb9: {  	_ =	task.clear_ibuf [dreg:s8], $0x7FFFF;
	_ =	strace $0x90000046  }
0xba: {  	s29 =	simm.s32 $0x9;
	_ =	strace $0x80000048  }
0xbb: {  	_ =	swait.ge [sflag:s29], $0x1  }
0xbc: {  	[sflag:s29] =	ssyncadd.s32 $0xFFFFFFFF  }
0xbd: {  	_ =	strace $0x90000048  }
0xbe: {  	_ =	sfence  }
0xbf: {  	s30 =	sld [smem:$0x0];
	_ =	sdelay $0x2  }
0xc0: {  	s31 =	sshll.u32 s1, $0xD;
	s1 =	sshrl.u32 s1, $0x2  }
0xc1: {  	s3 =	sand.u32 $0x4000, s31;
	s1 =	sadd.s32 s1, s30  }
0xc2: {  	s0 =	sor.u32 s3, s0;
	s1 =	sshll.u32 s1, $0x11  }
0xc3: {  	s0 =	sor.u32 s1, s0  }
0xc4: {  	s0 =	sadd.s32 $0x8F2B, s0  }
0xc5: {  	[sflag:s0] =	ssyncadd.remote.s32 $0x1  }
0xc6: {  	_ =	sfence.sel $0xFFFF  }
0xc7: {  	[dreg:$0x0] =	wrdreg $0xFFFFFFFF;
	(pc) =	sbr.abs _section_cstart, $3  }
0xc8: {  	[dreg:$0x1] =	wrdreg $0xFFFFFFFF  }
0xc9: {  	_ =	task.clear_ibuf [dreg:s8], $0x2FFFF;
	_ =	strace $0x9FFFFFFF  }
0xca: {  	(tm) =	ssettm $0x7FFFFFFF  }
0xcb: {  	_ =	shalt  }
tec
execute0_lowered:
.L_overlay_start_1:
0x0: {  	(tag) =	ssettag $0x1  }
0x1: {  	s1 =	rddreg [dreg:$0x0]  }
0x2: {  	s4 =	rddreg [dreg:$0x1]  }
0x3: {  	s0 =	rddreg [dreg:$0x2]  }
0x4: {  	s3 =	srdreg.scid;
	s5 =	stileid.u32  }
0x5: {  	s2 =	rddreg [dreg:$0x3];
	s29 =	simm.s32 $0x12240;
	s30 =	simm.s32 $0x2  }
0x6: {  	s31 =	simm.s32 $0x5;
	s28 =	simm.s32 $0x7;
	s19 =	smul.u32 $0x61A800, s5  }
0x7: {  	s7 =	sand.u32 $0x1, s3;
	s6 =	sshll.u32 s5, $0x1;
	s24 =	smul.u32 $0xC3500, s5  }
0x8: {  	s3 =	simm.s32 $0x0;
	s1 =	sadd.s32 $0x2600, s1;
	s22 =	smul.u32 $0x30D400, s7  }
0x9: {  	s8 =	sor.u32 s7, s6;
	s9 =	ssub.s32 $0x2, s7;
	s7 =	smul.u32 $0x61A80, s7  }
0xa: {  	p0 =	sne.s32 s5, $0x0;
	[smem:$0x7FF] =	sst s3;
	s6 =	smul.u32 $0x61A8, s8  }
0xb: {  	s5 =	simm.s32 $0x0;
	_ =	strace $0x80000047;
	s10 =	smul.u32 $0x30D400, s8  }
0xc: {  	[dreg:$0x5] =	wrdreg s1;
	s13 =	sshrl.u32 s9, $0x1;
	s16 =	smul.u32 $0x61A80, s8  }
0xd: {  	s25 =	sadd.s32 s24, s0;
	s24 =	simm.s32 $0x6;
	s1 =	ssub.s32 s9, s13  }
0xe: {  	s26 =	sadd.s32 s22, s19;
	s19 =	simm.s32 $0x9;
	s22 =	simm.s32 $0x3  }
0xf: {  	s11 =	sshrl.u32 s6, $0x3;
	s14 =	sshrl.u32 s10, $0x3;
	s15 =	sshll.u32 s6, $0x4  }
0x10: {  	s1 =	smax.u32 s1, $0x1;
	s4 =	sadd.s32 s4, s11;
	s6 =	sadd.s32 s0, s14  }
0x11: {  	[dreg:$0xb] =	wrdreg s1;
	s23 =	sadd.s32 s0, s15;
	s1 =	sadd.s32 s7, s25  }
0x12: {  	s15 =	sadd.s32 $0x10000, s26;
	s25 =	simm.s32 $0xE240;
	s26 =	simm.s32 $0x1  }
0x13: {  	[dreg:$0x6] =	wrdreg s4;
	s17 =	sadd.s32 $0x60000, s6;
	s18 =	sadd.s32 $0x60800, s6  }
0x14: {  	s20 =	sadd.s32 $0x61000, s6;
	s21 =	sadd.s32 $0x61800, s6;
	[dreg:$0x7] =	wrdreg s17  }
0x15: {  	s12 =	sadd.s32 $0x800, s23;
	s4 =	sadd.s32 s0, s16;
	[dreg:$0x8] =	wrdreg s18  }
0x16: {  	s13 =	sadd.s32 $0x1000, s23;
	s16 =	sadd.s32 $0x2800, s1;
	[dreg:$0x9] =	wrdreg s20  }
0x17: {  	s23 =	simm.s32 $0xA240;
	s1 =	simm.s32 $0x4;
	[dreg:$0xa] =	wrdreg s21  }
0x18: {  	s14 =	sadd.s32 $0x1800, s4;
	s17 =	sshrl.u32 @!p0 s2, $0x3;
	s18 =	simm.s32 $0x40  }
0x19: {  	s20 =	simm.s32 $0x80;
	s21 =	simm.s32 $0x6240;
	s4 =	simm.s32 $0x8  }
.LBB2_1:
0x1a: {  	s7 =	simm.s32 @!p0 $0x1C0A;
	s8 =	rddreg [dreg:$0x5]  }
0x1b: {  	[spmem:s17], [sflag:s7] =	dma.local @!p0 [hbm:s8], $0x80  }
0x1c: {  	s7 =	simm.s32 @!p0 $0xA  }
0x1d: {  	_ =	swait.ge @!p0 [sflag:s7], $0x80  }
0x1e: {  	[sflag:s7] =	ssyncset.done @!p0 $0x0  }
0x1f: {  	[sflag:s7] =	ssyncadd.s32 @!p0 $0xFFFFFF80  }
0x20: {  	[bflag:$0x0] =	sbarrier.arrive $0xFFFF  }
0x21: {  	s11 =	rddreg [dreg:$0x6]  }
0x22: {  	[tilespmem:s18], [sflag:$0x9] =	stream.linear.gather [hbm4b:s11+s3], $0x61A8, $0x38;
	[tilespmem:$0x16240] =	vst v63  }
0x23: {  	_ =	swait.ge [sflag:s19], $0x61A8  }
0x24: {  	[sflag:s19] =	ssyncset.done $0x0  }
0x25: {  	[sflag:s19] =	ssyncadd.s32 $0xFFFF9E58  }
0x26: {  	[tilespmem:s21], [sflag:$0x1] =	stream.indirect.gather [spmem:s2], $0x80, s18, s20, $0xb8;
	[tilespmem:$0x16240] =	vst v63  }
0x27: {  	s8 =	simm.s32 $0xC0  }
0x28: {  	[tilespmem:s23], [sflag:$0x2] =	stream.indirect.gather [spmem:s2], $0x80, s8, s20, $0xb8;
	[tilespmem:$0x16240] =	vst v63  }
0x29: {  	s9 =	simm.s32 $0x140  }
0x2a: {  	[tilespmem:s25], [sflag:$0x3] =	stream.indirect.gather [spmem:s2], $0x80, s9, s20, $0xb8;
	[tilespmem:$0x16240] =	vst v63  }
0x2b: {  	_ =	swait.ge [sflag:s26], $0x4000  }
0x2c: {  	[sflag:s26] =	ssyncset.done $0x0  }
0x2d: {  	[sflag:s26] =	ssyncadd.s32 $0xFFFFC000  }
0x2e: {  	[hbm4b:s6+s3] =	stream.linear.scatter [tilespmem:s21], [sflag:$0x5], $0x4000, $0x38;
	[tilespmem:$0x16240] =	vst v63  }
0x2f: {  	s10 =	simm.s32 $0x1C0  }
0x30: {  	[tilespmem:s29], [sflag:$0x4] =	stream.indirect.gather [spmem:s2], $0x80, s10, s20, $0xb8;
	[tilespmem:$0x16240] =	vst v63  }
0x31: {  	_ =	swait.ge [sflag:s30], $0x4000  }
0x32: {  	[sflag:s30] =	ssyncset.done $0x0  }
0x33: {  	[sflag:s30] =	ssyncadd.s32 $0xFFFFC000  }
0x34: {  	[hbm4b:s12+s3] =	stream.linear.scatter [tilespmem:s23], [sflag:$0x6], $0x4000, $0x38;
	[tilespmem:$0x16240] =	vst v63  }
0x35: {  	_ =	swait.ge [sflag:s31], $0x4000  }
0x36: {  	[sflag:s31] =	ssyncset.done $0x0  }
0x37: {  	s11 =	simm.s32 $0x240;
	[sflag:s31] =	ssyncadd.s32 $0xFFFFC000  }
0x38: {  	[tilespmem:s21], [sflag:$0x1] =	stream.indirect.gather [spmem:s2], $0x80, s11, s20, $0xb8;
	[tilespmem:$0x16240] =	vst v63  }
0x39: {  	_ =	swait.ge [sflag:s22], $0x4000  }
0x3a: {  	[sflag:s22] =	ssyncset.done $0x0  }
0x3b: {  	[sflag:s22] =	ssyncadd.s32 $0xFFFFC000  }
0x3c: {  	[hbm4b:s13+s3] =	stream.linear.scatter [tilespmem:s25], [sflag:$0x7], $0x4000, $0x38;
	[tilespmem:$0x16240] =	vst v63  }
0x3d: {  	_ =	swait.ge [sflag:s24], $0x4000  }
0x3e: {  	[sflag:s24] =	ssyncset.done $0x0  }
0x3f: {  	s8 =	simm.s32 $0x2C0;
	[sflag:s24] =	ssyncadd.s32 $0xFFFFC000  }
0x40: {  	[tilespmem:s23], [sflag:$0x2] =	stream.indirect.gather [spmem:s2], $0x80, s8, s20, $0xb8;
	[tilespmem:$0x16240] =	vst v63  }
0x41: {  	_ =	swait.ge [sflag:s1], $0x4000  }
0x42: {  	[sflag:s1] =	ssyncset.done $0x0  }
0x43: {  	[sflag:s1] =	ssyncadd.s32 $0xFFFFC000  }
0x44: {  	[hbm4b:s14+s3] =	stream.linear.scatter [tilespmem:s29], [sflag:$0x8], $0x4000, $0x38;
	[tilespmem:$0x16240] =	vst v63  }
0x45: {  	_ =	swait.ge [sflag:s28], $0x4000  }
0x46: {  	[sflag:s28] =	ssyncset.done $0x0  }
0x47: {  	s9 =	simm.s32 $0x340;
	[sflag:s28] =	ssyncadd.s32 $0xFFFFC000  }
0x48: {  	[tilespmem:s25], [sflag:$0x3] =	stream.indirect.gather [spmem:s2], $0x80, s9, s20, $0xb8;
	[tilespmem:$0x16240] =	vst v63  }
0x49: {  	_ =	swait.ge [sflag:s26], $0x4000  }
0x4a: {  	s10 =	sshrl.u32 s15, $0x3;
	[sflag:s26] =	ssyncset.done $0x0  }
0x4b: {  	s7 =	sadd.s32 s0, s10;
	[sflag:s26] =	ssyncadd.s32 $0xFFFFC000  }
0x4c: {  	[hbm4b:s7+s3] =	stream.linear.scatter [tilespmem:s21], [sflag:$0x5], $0x4000, $0x38;
	[tilespmem:$0x16240] =	vst v63  }
0x4d: {  	_ =	swait.ge [sflag:s4], $0x4000  }
0x4e: {  	[sflag:s4] =	ssyncset.done $0x0  }
0x4f: {  	s11 =	simm.s32 $0x3C0;
	[sflag:s4] =	ssyncadd.s32 $0xFFFFC000  }
0x50: {  	[tilespmem:s29], [sflag:$0x4] =	stream.indirect.gather [spmem:s2], $0x80, s11, s20, $0xb8;
	[tilespmem:$0x16240] =	vst v63  }
0x51: {  	_ =	swait.ge [sflag:s30], $0x4000  }
0x52: {  	[sflag:s30] =	ssyncset.done $0x0  }
0x53: {  	[sflag:s30] =	ssyncadd.s32 $0xFFFFC000  }
0x54: {  	[hbm4b:s16+s3] =	stream.linear.scatter [tilespmem:s23], [sflag:$0x6], $0x4000, $0x38;
	[tilespmem:$0x16240] =	vst v63  }
0x55: {  	_ =	swait.ge [sflag:s31], $0x4000  }
0x56: {  	[sflag:s31] =	ssyncset.done $0x0  }
0x57: {  	s8 =	simm.s32 $0x440;
	[sflag:s31] =	ssyncadd.s32 $0xFFFFC000  }
0x58: {  	[tilespmem:s21], [sflag:$0x1] =	stream.indirect.gather [spmem:s2], $0x80, s8, s20, $0xb8;
	[tilespmem:$0x16240] =	vst v63  }
0x59: {  	_ =	swait.ge [sflag:s22], $0x4000  }
0x5a: {  	[sflag:s22] =	ssyncset.done $0x0  }
0x5b: {  	s9 =	sadd.s32 $0x800, s16;
	[sflag:s22] =	ssyncadd.s32 $0xFFFFC000  }
0x5c: {  	[hbm4b:s9+s3] =	stream.linear.scatter [tilespmem:s25], [sflag:$0x7], $0x4000, $0x38;
	[tilespmem:$0x16240] =	vst v63  }
0x5d: {  	_ =	swait.ge [sflag:s24], $0x4000  }
0x5e: {  	[sflag:s24] =	ssyncset.done $0x0  }
0x5f: {  	s10 =	simm.s32 $0x4C0;
	[sflag:s24] =	ssyncadd.s32 $0xFFFFC000  }
0x60: {  	[tilespmem:s23], [sflag:$0x2] =	stream.indirect.gather [spmem:s2], $0x80, s10, s20, $0xb8;
	[tilespmem:$0x16240] =	vst v63  }
0x61: {  	_ =	swait.ge [sflag:s1], $0x4000  }
0x62: {  	[sflag:s1] =	ssyncset.done $0x0  }
0x63: {  	s11 =	sadd.s32 $0x1000, s16;
	[sflag:s1] =	ssyncadd.s32 $0xFFFFC000  }
0x64: {  	[hbm4b:s11+s3] =	stream.linear.scatter [tilespmem:s29], [sflag:$0x8], $0x4000, $0x38;
	[tilespmem:$0x16240] =	vst v63  }
0x65: {  	_ =	swait.ge [sflag:s28], $0x4000  }
0x66: {  	s7 =	simm.s32 $0x800;
	s8 =	sadd.s32 $0x2000, s16;
	[sflag:s28] =	ssyncset.done $0x0  }
0x67: {  	s9 =	sadd.s32 $0x10000, s15;
	s10 =	simm.s32 $0x540;
	[sflag:s28] =	ssyncadd.s32 $0xFFFFC000  }
.LBB2_2:
0x68: {  	[tilespmem:s25], [sflag:$0x3] =	stream.indirect.gather [spmem:s2], $0x80, s10, s20, $0xb8;
	[tilespmem:$0x16240] =	vst v63  }
0x69: {  	s10 =	smov.u32 s7  }
0x6a: {  	p1 =	sne.s32 s7, $0x17000;
	s7 =	sadd.s32 $0x800, s7;
	_ =	swait.ge [sflag:s26], $0x4000  }
0x6b: {  	s11 =	sshrl.u32 s9, $0x3;
	[sflag:s26] =	ssyncset.done $0x0  }
0x6c: {  	s11 =	sadd.s32 s0, s11;
	[sflag:s26] =	ssyncadd.s32 $0xFFFFC000  }
0x6d: {  	[hbm4b:s11+s3] =	stream.linear.scatter [tilespmem:s21], [sflag:$0x5], $0x4000, $0x38;
	[tilespmem:$0x16240] =	vst v63  }
0x6e: {  	_ =	swait.ge [sflag:s4], $0x4000  }
0x6f: {  	s10 =	sshra.s32 s10, $0x2;
	[sflag:s4] =	ssyncset.done $0x0  }
0x70: {  	s11 =	sadd.s32 $0x3C0, s10;
	[sflag:s4] =	ssyncadd.s32 $0xFFFFC000  }
0x71: {  	[tilespmem:s29], [sflag:$0x4] =	stream.indirect.gather [spmem:s2], $0x80, s11, s20, $0xb8;
	[tilespmem:$0x16240] =	vst v63  }
0x72: {  	_ =	swait.ge [sflag:s30], $0x4000  }
0x73: {  	[sflag:s30] =	ssyncset.done $0x0  }
0x74: {  	[sflag:s30] =	ssyncadd.s32 $0xFFFFC000  }
0x75: {  	[hbm4b:s8+s3] =	stream.linear.scatter [tilespmem:s23], [sflag:$0x6], $0x4000, $0x38;
	[tilespmem:$0x16240] =	vst v63  }
0x76: {  	_ =	swait.ge [sflag:s31], $0x4000  }
0x77: {  	[sflag:s31] =	ssyncset.done $0x0  }
0x78: {  	s11 =	sadd.s32 $0x440, s10;
	[sflag:s31] =	ssyncadd.s32 $0xFFFFC000  }
0x79: {  	[tilespmem:s21], [sflag:$0x1] =	stream.indirect.gather [spmem:s2], $0x80, s11, s20, $0xb8;
	[tilespmem:$0x16240] =	vst v63  }
0x7a: {  	_ =	swait.ge [sflag:s22], $0x4000  }
0x7b: {  	[sflag:s22] =	ssyncset.done $0x0  }
0x7c: {  	s11 =	sadd.s32 $0x800, s8;
	[sflag:s22] =	ssyncadd.s32 $0xFFFFC000  }
0x7d: {  	[hbm4b:s11+s3] =	stream.linear.scatter [tilespmem:s25], [sflag:$0x7], $0x4000, $0x38;
	[tilespmem:$0x16240] =	vst v63  }
0x7e: {  	_ =	swait.ge [sflag:s24], $0x4000  }
0x7f: {  	[sflag:s24] =	ssyncset.done $0x0  }
0x80: {  	s11 =	sadd.s32 $0x4C0, s10;
	[sflag:s24] =	ssyncadd.s32 $0xFFFFC000  }
0x81: {  	[tilespmem:s23], [sflag:$0x2] =	stream.indirect.gather [spmem:s2], $0x80, s11, s20, $0xb8;
	[tilespmem:$0x16240] =	vst v63  }
0x82: {  	_ =	swait.ge [sflag:s1], $0x4000  }
0x83: {  	[sflag:s1] =	ssyncset.done $0x0  }
.Ltmp0:
0x84: {  	s11 =	sadd.s32 $0x1000, s8;
	[sflag:s1] =	ssyncadd.s32 $0xFFFFC000;
	(pc) =	sbr.rel @p1 .LBB2_2-.Ltmp0, $4  }
0x85: {  	[hbm4b:s11+s3] =	stream.linear.scatter [tilespmem:s29], [sflag:$0x8], $0x4000, $0x38;
	[tilespmem:$0x16240] =	vst v63  }
0x86: {  	_ =	swait.ge [sflag:s28], $0x4000  }
0x87: {  	s8 =	sadd.s32 $0x2000, s8;
	[sflag:s28] =	ssyncset.done $0x0  }
0x88: {  	s9 =	sadd.s32 $0x10000, s9;
	s10 =	sadd.s32 $0x540, s10;
	[sflag:s28] =	ssyncadd.s32 $0xFFFFC000  }
0x89: {  	[tilespmem:s25], [sflag:$0x3] =	stream.indirect.gather [spmem:s2], $0x80, s10, s20, $0xb8;
	[tilespmem:$0x16240] =	vst v63  }
0x8a: {  	_ =	swait.ge [sflag:s26], $0x4000  }
0x8b: {  	[sflag:s26] =	ssyncset.done $0x0  }
0x8c: {  	s7 =	rddreg [dreg:$0x7];
	[sflag:s26] =	ssyncadd.s32 $0xFFFFC000  }
0x8d: {  	[hbm4b:s7+s3] =	stream.linear.scatter [tilespmem:s21], [sflag:$0x5], $0x4000, $0x38;
	[tilespmem:$0x16240] =	vst v63  }
0x8e: {  	_ =	swait.ge [sflag:s30], $0x4000  }
0x8f: {  	[sflag:s30] =	ssyncset.done $0x0  }
0x90: {  	s11 =	rddreg [dreg:$0x8];
	[sflag:s30] =	ssyncadd.s32 $0xFFFFC000  }
0x91: {  	[hbm4b:s11+s3] =	stream.linear.scatter [tilespmem:s23], [sflag:$0x6], $0x4000, $0x38;
	[tilespmem:$0x16240] =	vst v63  }
0x92: {  	_ =	swait.ge [sflag:s22], $0x4000  }
0x93: {  	[sflag:s22] =	ssyncset.done $0x0  }
0x94: {  	s8 =	rddreg [dreg:$0x9];
	[sflag:s22] =	ssyncadd.s32 $0xFFFFC000  }
0x95: {  	[hbm4b:s8+s3] =	stream.linear.scatter [tilespmem:s25], [sflag:$0x7], $0x4000, $0x38;
	[tilespmem:$0x16240] =	vst v63  }
0x96: {  	_ =	swait.ge [sflag:s4], $0x4000  }
0x97: {  	[sflag:s4] =	ssyncset.done $0x0  }
0x98: {  	[sflag:s4] =	ssyncadd.s32 $0xFFFFC000  }
0x99: {  	_ =	swait.ge [sflag:s31], $0x4000  }
0x9a: {  	[sflag:s31] =	ssyncset.done $0x0  }
0x9b: {  	[sflag:s31] =	ssyncadd.s32 $0xFFFFC000  }
0x9c: {  	_ =	swait.ge [sflag:s24], $0x4000  }
0x9d: {  	[sflag:s24] =	ssyncset.done $0x0  }
0x9e: {  	[sflag:s24] =	ssyncadd.s32 $0xFFFFC000  }
0x9f: {  	_ =	swait.ge [sflag:s28], $0x4000  }
0xa0: {  	[sflag:s28] =	ssyncset.done $0x0  }
0xa1: {  	s9 =	simm.s32 $0x28;
	s8 =	simm.s32 $0x61C0;
	[sflag:s28] =	ssyncadd.s32 $0xFFFFC000  }
0xa2: {  	[tilespmem:s21], [sflag:$0x1] =	stream.indirect.gather [spmem:s2], $0x80, s8, s9, $0xb8;
	[tilespmem:$0x16240] =	vst v63  }
0xa3: {  	_ =	swait.ge [sflag:s26], $0x1400  }
0xa4: {  	[sflag:s26] =	ssyncset.done $0x0  }
0xa5: {  	s10 =	rddreg [dreg:$0xa];
	[sflag:s26] =	ssyncadd.s32 $0xFFFFEC00  }
0xa6: {  	[hbm4b:s10+s3] =	stream.linear.scatter [tilespmem:s21], [sflag:$0x5], $0x1400, $0x38;
	[tilespmem:$0x16240] =	vst v63  }
0xa7: {  	_ =	swait.ge [sflag:s31], $0x1400  }
0xa8: {  	s5 =	sadd.s32 $0x1, s5;
	s11 =	rddreg [dreg:$0xb]  }
0xa9: {  	p1 =	sne.s32 s5, s11  }
.Ltmp1:
0xaa: {  	_ = 	snop;
	(pc) =	sbr.rel @p1 .LBB2_1-.Ltmp1, $3  }
0xab: {  	_ =	sdelay $0x1  }
0xac: {  	[sflag:s31] =	ssyncset.done $0x0  }
0xad: {  	[sflag:s31] =	ssyncadd.s32 $0xFFFFEC00  }
0xae: {  	_ =	sfence.sel $0x180000  }
0xaf: {  	[bflag:$0x0] =	sbarrier.arrive $0xFFFF  }
0xb0: {  	_ =	strace $0x90000047  }
0xb1: {  	[bflag:$0x2] =	sbarrier.arrive $0xFFFF  }
0xb2: {  	s0 =	rddreg [dreg:$0x4]  }
0xb3: {  	s0 =	sadd.s32 @!p0 $0x100000, s0  }
0xb4: {  	[sflag:s0] =	ssyncadd.tile.s32 @!p0 $0x1;
	_ =	shalt  }
.Lfunc_end2:
_tile_overlayer_lowered:
.L_overlay_start_2:
0xb5: {  	(tag) =	ssettag $0x2  }
0xb6: {  	s0 =	rddreg [dreg:$0x0];
	s2 =	stileid.u32  }
0xb7: {  	s1 =	rddreg [dreg:$0x1];
	p0 =	sne.s32 s2, $0x0  }
0xb8: {  	s3 =	rddreg [dreg:$0x2];
	[bflag:$0x3] =	sbarrier.arrive $0xFFFF;
	s2 =	simm.s32 @!p0 $0x1C0A  }
0xb9: {  	[timem:s3], [sflag:s2] =	dma.local @!p0 [hbm:s0], s1  }
0xba: {  	s0 =	simm.s32 @!p0 $0xA  }
0xbb: {  	_ =	swait.ge @!p0 [sflag:s0], s1  }
0xbc: {  	s1 =	ssub.s32 @!p0 $0x0, s1;
	[sflag:s0] =	ssyncset.done @!p0 $0x0  }
0xbd: {  	[sflag:s0] =	ssyncadd.s32 @!p0 s1  }
0xbe: {  	[bflag:$0x3] =	sbarrier.arrive $0xFFFF  }
0xbf: {  	_ =	shalt  }

</sc_bundles>
